<compile_context>
chip_gen: v7x
topology: tpu7x:2x2x1
jax: 0.10.2.dev20260603
libtpu: 0.0.44.dev20260713+nightly
codegen_flags: <defaults>
</compile_context>

<pallas_src>
import functools

import jax
import jax.numpy as jnp
from jax import lax
from jax.experimental import pallas as pl
from jax.experimental.pallas import tpu as pltpu
from jax.experimental.pallas import tpu_sc as plsc

_N = 10000
_NP = 10240
_E = 320000
_EB = 2560
_EH1 = 80 * _EB
_EH2 = _E - _EH1
_EXR = _EB // 128
_NB = 2048

_NC = 2
_NS = 16
_NW = _NC * _NS
_RT = _NP // _NS


def _pick_chunk(ew):
    for ch in range(128, 0, -8):
        if ew % ch == 0:
            return ch
    raise ValueError(ew)


def _edge_body(ea, mw0, mb0, mw1, mb1, mw2, mb2,
               aw0, ab0, aw1, ab1, aw2, ab2, vals, ex):
    x = ea[...]
    h = jnp.maximum(jnp.dot(x, mw0[...], preferred_element_type=jnp.float32) + mb0[...], 0.0)
    h = jnp.maximum(jnp.dot(h, mw1[...], preferred_element_type=jnp.float32) + mb1[...], 0.0)
    m = jnp.dot(h, mw2[...], preferred_element_type=jnp.float32) + mb2[...]
    a = jnp.maximum(jnp.dot(x, aw0[...], preferred_element_type=jnp.float32) + ab0[...], 0.0)
    a = jnp.maximum(jnp.dot(a, aw1[...], preferred_element_type=jnp.float32) + ab1[...], 0.0)
    lg = jnp.dot(a, aw2[...], preferred_element_type=jnp.float32) + ab2[0, 0]
    e = jnp.exp(lg)
    vals[...] = m * e
    ex[...] = e.reshape(1, _EXR, 128)


def _edge_stage(edge_attr, mw0, mb0, mw1, mb1, mw2, mb2, aw0, ab0, aw1, ab1, aw2, ab2):
    ne = edge_attr.shape[0]
    grid = ne // _EB
    full = lambda shape: pl.BlockSpec(shape, lambda i: (0,) * len(shape))
    return pl.pallas_call(
        _edge_body,
        grid=(grid,),
        in_specs=[
            pl.BlockSpec((_EB, 16), lambda i: (i, 0)),
            full((16, 256)), full((1, 256)),
            full((256, 256)), full((1, 256)),
            full((256, 128)), full((1, 128)),
            full((16, 128)), full((1, 128)),
            full((128, 128)), full((1, 128)),
            full((128, 1)), full((1, 1)),
        ],
        out_specs=[
            pl.BlockSpec((_EB, 128), lambda i: (i, 0)),
            pl.BlockSpec((1, _EXR, 128), lambda i: (i, 0, 0)),
        ],
        out_shape=[
            jax.ShapeDtypeStruct((ne, 128), jnp.float32),
            jax.ShapeDtypeStruct((ne // _EB, _EXR, 128), jnp.float32),
        ],
    )(edge_attr, mw0, mb0, mw1, mb1, mw2, mb2, aw0, ab0, aw1, ab1, aw2, ab2)


def _sc_scatter_body(ew, nit, ch, zf, vals_hbm, ex_hbm, dst_hbm, agg_out,
                     den_out, idx_a, idx_b, ex_a, ex_b, rows_a, rows_b, z1,
                     agg_sh, den_sh, sem_a, sem_b, ssem_a, ssem_b):
    c = lax.axis_index("c")
    s = lax.axis_index("s")
    wid = c * _NS + s
    _ZV16 = jnp.zeros((16,), jnp.float32)

    def start(j, rows, idx8, ex8, sem):
        base = wid * ew + j * ch
        pltpu.async_copy(vals_hbm.at[pl.ds(base, ch), :], rows, sem)
        pltpu.async_copy(dst_hbm.at[pl.ds(base, ch)], idx8, sem)
        pltpu.async_copy(ex_hbm.at[pl.ds(base, ch)], ex8, sem)

    def wait(j, rows, idx8, ex8, sem):
        base = wid * ew + j * ch
        pltpu.make_async_copy(vals_hbm.at[pl.ds(base, ch), :], rows, sem).wait()
        pltpu.make_async_copy(dst_hbm.at[pl.ds(base, ch)], idx8, sem).wait()
        pltpu.make_async_copy(ex_hbm.at[pl.ds(base, ch)], ex8, sem).wait()


    def zero2(r, _):
        def zl(k, _):
            rows_a[r, pl.ds(k * 16, 16)] = _ZV16
            return 0
        return lax.fori_loop(0, 8, zl, 0)
    lax.fori_loop(0, ch, zero2, 0)

    def zl1(k, _):
        z1[pl.ds(k * 16, 16)] = _ZV16
        return 0
    lax.fori_loop(0, _RT // 16, zl1, 0)

    def zfill(b, _):
        pltpu.sync_copy(rows_a.at[pl.ds(0, zf), :],
                        agg_sh.at[pl.ds(s * _RT + b * zf, zf), :])
        return 0
    lax.fori_loop(0, _RT // zf, zfill, 0)
    pltpu.sync_copy(z1, den_sh.at[pl.ds(s * _RT, _RT)])

    plsc.subcore_barrier()

    def start_scat(rows, idx8, ex8, ssem):
        pltpu.async_copy(rows, agg_sh.at[idx8], ssem, add=True)
        pltpu.sync_copy(ex8, den_sh.at[idx8], add=True)

    def wait_scat(rows, idx8, ssem):
        pltpu.make_async_copy(rows, agg_sh.at[idx8], ssem).wait()

    start(0, rows_a, idx_a, ex_a, sem_a)

    def body(t, _):
        ja = 2 * t
        wait(ja, rows_a, idx_a, ex_a, sem_a)

        @pl.when(ja + 1 < nit)
        def _():
            @pl.when(ja > 0)
            def _():
                wait_scat(rows_b, idx_b, ssem_b)
            start(ja + 1, rows_b, idx_b, ex_b, sem_b)
        start_scat(rows_a, idx_a, ex_a, ssem_a)

        @pl.when(ja + 1 < nit)
        def _():
            wait(ja + 1, rows_b, idx_b, ex_b, sem_b)

            @pl.when(ja + 2 < nit)
            def _():
                wait_scat(rows_a, idx_a, ssem_a)
                start(ja + 2, rows_a, idx_a, ex_a, sem_a)
            start_scat(rows_b, idx_b, ex_b, ssem_b)
        return 0
    lax.fori_loop(0, (nit + 1) // 2, body, 0)
    wait_scat(rows_a, idx_a, ssem_a)
    if nit > 1:
        wait_scat(rows_b, idx_b, ssem_b)

    plsc.subcore_barrier()

    pltpu.sync_copy(agg_sh.at[pl.ds(s * _RT, _RT), :],
                    agg_out.at[c, pl.ds(s * _RT, _RT), :])
    pltpu.sync_copy(den_sh.at[pl.ds(s * _RT, _RT)],
                    den_out.at[c, pl.ds(s * _RT, _RT)])


@functools.cache
def _sc_scatter(ne):
    ew = ne // _NW
    ch = _pick_chunk(ew)
    nit = ew // ch
    zf = next(z for z in (640, 320, 160, 128, 80, 64, 40, 32, 16, 8) if z <= ch)
    return pl.kernel(
        functools.partial(_sc_scatter_body, ew, nit, ch, zf),
        mesh=plsc.VectorSubcoreMesh(core_axis_name="c", subcore_axis_name="s",
                                    num_cores=_NC, num_subcores=_NS),
        out_type=[
            jax.ShapeDtypeStruct((_NC, _NP, 128), jnp.float32),
            jax.ShapeDtypeStruct((_NC, _NP), jnp.float32),
        ],
        scratch_types=[
            pltpu.VMEM((ch,), jnp.int32),
            pltpu.VMEM((ch,), jnp.int32),
            pltpu.VMEM((ch,), jnp.float32),
            pltpu.VMEM((ch,), jnp.float32),
            pltpu.VMEM((ch, 128), jnp.float32),
            pltpu.VMEM((ch, 128), jnp.float32),
            pltpu.VMEM((_RT,), jnp.float32),
            pltpu.VMEM_SHARED((_NP, 128), jnp.float32),
            pltpu.VMEM_SHARED((_NP,), jnp.float32),
            pltpu.SemaphoreType.DMA,
            pltpu.SemaphoreType.DMA,
            pltpu.SemaphoreType.DMA,
            pltpu.SemaphoreType.DMA,
        ],
    )


def _upd_body(aggA, aggB, denA, denB, w0, b0, w1, b1, w2, b2, out):
    agg = (aggA[0] + aggA[1]) + (aggB[0] + aggB[1])
    den = (denA[0] + denA[1]) + (denB[0] + denB[1])
    x = agg * (1.0 / (den + 1e-16))
    u = jnp.maximum(jnp.dot(x, w0[...], preferred_element_type=jnp.float32) + b0[...], 0.0)
    u = jnp.maximum(jnp.dot(u, w1[...], preferred_element_type=jnp.float32) + b1[...], 0.0)
    out[...] = jnp.dot(u, w2[...], preferred_element_type=jnp.float32) + b2[...]


def _update_stage(aggA, aggB, denA, denB, w0, b0, w1, b1, w2, b2):
    grid = _NP // _NB
    full = lambda shape: pl.BlockSpec(shape, lambda i: (0,) * len(shape))
    return pl.pallas_call(
        _upd_body,
        grid=(grid,),
        in_specs=[
            pl.BlockSpec((2, _NB, 128), lambda i: (0, i, 0)),
            pl.BlockSpec((2, _NB, 128), lambda i: (0, i, 0)),
            pl.BlockSpec((2, _NB, 1), lambda i: (0, i, 0)),
            pl.BlockSpec((2, _NB, 1), lambda i: (0, i, 0)),
            full((128, 256)), full((1, 256)),
            full((256, 256)), full((1, 256)),
            full((256, 2)), full((1, 2)),
        ],
        out_specs=pl.BlockSpec((_NB, 2), lambda i: (i, 0)),
        out_shape=jax.ShapeDtypeStruct((_NP, 2), jnp.float32),
    )(aggA, aggB, denA, denB, w0, b0, w1, b1, w2, b2)


def kernel(edge_attr, edge_index,
           msg_w0, msg_b0, msg_w1, msg_b1, msg_w2, msg_b2,
           attn_w0, attn_b0, attn_w1, attn_b1, attn_w2, attn_b2,
           upd_w0, upd_b0, upd_w1, upd_b1, upd_w2, upd_b2):
    ws = (msg_w0, msg_b0.reshape(1, -1), msg_w1, msg_b1.reshape(1, -1),
          msg_w2, msg_b2.reshape(1, -1),
          attn_w0, attn_b0.reshape(1, -1), attn_w1, attn_b1.reshape(1, -1),
          attn_w2, attn_b2.reshape(1, 1))
    v1, e1 = _edge_stage(edge_attr[:_EH1], *ws)
    a1, d1 = _sc_scatter(_EH1)(v1, e1.reshape(_EH1), edge_index[1, :_EH1])
    v2, e2 = _edge_stage(edge_attr[_EH1:], *ws)
    a2, d2 = _sc_scatter(_EH2)(v2, e2.reshape(_EH2), edge_index[1, _EH1:])
    out = _update_stage(
        a1, a2, d1.reshape(_NC, _NP, 1), d2.reshape(_NC, _NP, 1),
        upd_w0, upd_b0.reshape(1, -1), upd_w1, upd_b1.reshape(1, -1),
        upd_w2, upd_b2.reshape(1, -1),
    )
    return out[:_N]

# --- scband reference (transcript-rebuilt; emitter-appended) ---
"""Pipeline reference for scband-policy-network-12850542150269 (READ-ONLY COPY).

The authoritative reference and input builder live on the scoring server;
editing this copy changes nothing except your own understanding.
"""

import jax, jax.numpy as jnp
import numpy as np

N = 10000
E = 320000
EDGE_DIM = 16
ACTION_DIM = 2
N_AGENTS = 10000


def _glorot(key, fan_in, fan_out):
    return jax.random.normal(key, (fan_in, fan_out), dtype=jnp.float32) * (1.0 / np.sqrt(fan_in))


def setup_inputs(seed: int = 0) -> dict:
    key = jax.random.key(seed)
    ks = jax.random.split(key, 12)
    edge_attr = jax.random.normal(ks[0], (E, EDGE_DIM), dtype=jnp.float32)
    edge_index = jax.random.randint(ks[1], (2, E), 0, N, dtype=jnp.int32)
    # message MLP: edge_dim -> 256 -> 256 -> 128
    msg_w0 = _glorot(ks[2], EDGE_DIM, 256); msg_b0 = jnp.zeros((256,), jnp.float32)
    msg_w1 = _glorot(ks[3], 256, 256);      msg_b1 = jnp.zeros((256,), jnp.float32)
    msg_w2 = _glorot(ks[4], 256, 128);      msg_b2 = jnp.zeros((128,), jnp.float32)
    # attention MLP: edge_dim -> 128 -> 128 -> 1
    attn_w0 = _glorot(ks[5], EDGE_DIM, 128); attn_b0 = jnp.zeros((128,), jnp.float32)
    attn_w1 = _glorot(ks[6], 128, 128);      attn_b1 = jnp.zeros((128,), jnp.float32)
    attn_w2 = _glorot(ks[7], 128, 1);        attn_b2 = jnp.zeros((1,), jnp.float32)
    # update MLP: 128 -> 256 -> 256 -> action_dim
    upd_w0 = _glorot(ks[8], 128, 256);       upd_b0 = jnp.zeros((256,), jnp.float32)
    upd_w1 = _glorot(ks[9], 256, 256);       upd_b1 = jnp.zeros((256,), jnp.float32)
    upd_w2 = _glorot(ks[10], 256, ACTION_DIM); upd_b2 = jnp.zeros((ACTION_DIM,), jnp.float32)
    return {
        "edge_attr": edge_attr, "edge_index": edge_index,
        "msg_w0": msg_w0, "msg_b0": msg_b0, "msg_w1": msg_w1, "msg_b1": msg_b1,
        "msg_w2": msg_w2, "msg_b2": msg_b2,
        "attn_w0": attn_w0, "attn_b0": attn_b0, "attn_w1": attn_w1, "attn_b1": attn_b1,
        "attn_w2": attn_w2, "attn_b2": attn_b2,
        "upd_w0": upd_w0, "upd_b0": upd_b0, "upd_w1": upd_w1, "upd_b1": upd_b1,
        "upd_w2": upd_w2, "upd_b2": upd_b2,
    }


def reference(edge_attr, edge_index,
              msg_w0, msg_b0, msg_w1, msg_b1, msg_w2, msg_b2,
              attn_w0, attn_b0, attn_w1, attn_b1, attn_w2, attn_b2,
              upd_w0, upd_b0, upd_w1, upd_b1, upd_w2, upd_b2):
    dst = edge_index[1]
    # per-edge message MLP
    h = jax.nn.relu(edge_attr @ msg_w0 + msg_b0)
    h = jax.nn.relu(h @ msg_w1 + msg_b1)
    msg = h @ msg_w2 + msg_b2  # [E, 128]
    # per-edge attention logits
    a = jax.nn.relu(edge_attr @ attn_w0 + attn_b0)
    a = jax.nn.relu(a @ attn_w1 + attn_b1)
    logits = (a @ attn_w2 + attn_b2)[:, 0]  # [E]
    # segment softmax over incoming edges per destination node
    seg_max = jax.ops.segment_max(logits, dst, num_segments=N)
    seg_max = jnp.where(jnp.isfinite(seg_max), seg_max, 0.0)
    ex = jnp.exp(logits - seg_max[dst])
    denom = jax.ops.segment_sum(ex, dst, num_segments=N)
    attn = ex / (denom[dst] + 1e-16)
    # attention-weighted scatter-add aggregation
    agg = jax.ops.segment_sum(attn[:, None] * msg, dst, num_segments=N)  # [N, 128]
    # node update MLP -> control action
    u = jax.nn.relu(agg @ upd_w0 + upd_b0)
    u = jax.nn.relu(u @ upd_w1 + upd_b1)
    out = u @ upd_w2 + upd_b2  # [N, action_dim]
    return out[:N_AGENTS]

if __name__ == "__main__":
    import jax
    _d = setup_inputs()
    print(jax.jit(kernel)(*tuple(_d.values())))

</pallas_src>

<mosaic_0001>
#map = affine_map<(d0, d1) -> (0, 0)>
#map1 = affine_map<(d0, d1) -> (0)>
#map2 = affine_map<(d0, d1) -> (0, 0, 0)>
module attributes {stable_mosaic.version = 14 : i64} {
  func.func @_sc_scatter_body(%arg0: i32, %arg1: i32, %arg2: memref<115200x128xf32, #tpu.memory_space<hbm>>, %arg3: memref<115200xf32, #tpu.memory_space<hbm>>, %arg4: memref<115200xi32, #tpu.memory_space<hbm>>, %arg5: memref<2x10240x128xf32, #tpu.memory_space<hbm>>, %arg6: memref<2x10240xf32, #tpu.memory_space<hbm>>, %arg7: memref<120xi32, #tpu.memory_space<vmem>>, %arg8: memref<120xi32, #tpu.memory_space<vmem>>, %arg9: memref<120xf32, #tpu.memory_space<vmem>>, %arg10: memref<120xf32, #tpu.memory_space<vmem>>, %arg11: memref<120x128xf32, #tpu.memory_space<vmem>>, %arg12: memref<120x128xf32, #tpu.memory_space<vmem>>, %arg13: memref<640xf32, #tpu.memory_space<vmem>>, %arg14: memref<10240x128xf32, #tpu.memory_space<vmem_shared>>, %arg15: memref<10240xf32, #tpu.memory_space<vmem_shared>>, %arg16: memref<!tpu.dma_semaphore, #tpu.memory_space<semaphore_mem>>, %arg17: memref<!tpu.dma_semaphore, #tpu.memory_space<semaphore_mem>>, %arg18: memref<!tpu.dma_semaphore, #tpu.memory_space<semaphore_mem>>, %arg19: memref<!tpu.dma_semaphore, #tpu.memory_space<semaphore_mem>>) attributes {dimension_semantics = [#tpu.dimension_semantics<core_parallel>, #tpu.dimension_semantics<subcore_parallel>], iteration_bounds = array<i64: 2, 16>, scalar_prefetch = 0 : i64, scratch_operands = 13 : i64, tpu.core_type = #tpu.core_type<sc_vector_subcore>, window_params = [{transform_indices = #map}, {transform_indices = #map1}, {transform_indices = #map1}, {transform_indices = #map2}, {transform_indices = #map}]} {
    %mul3A = arith.constant 16 : i32
    %mul3A_0 = arith.muli %arg0, %mul3A : i32
    %add3A = arith.addi %mul3A_0, %arg1 : i32
    %broadcast_in_dim3A = arith.constant 0.000000e+00 : f32
    %broadcast_in_dim3A_1 = vector.broadcast %broadcast_in_dim3A : f32 to vector<16xf32>
    %scan3A = arith.constant 0 : i32
    %scan3A_2 = arith.constant 0 : i32
    %scan3A_3 = arith.constant 120 : i32
    %scan3A_4 = arith.addi %scan3A_2, %scan3A_3 : i32
    %scan3A_5 = arith.constant 1 : i32
    %scan3A_6 = scf.for %scan3A_56 = %scan3A_2 to %scan3A_4 step %scan3A_5 iter_args(%scan3A_57 = %scan3A) -> (i32)  : i32 {
      %scan3A_58 = arith.constant 0 : i32
      %scan3A_59 = arith.constant 0 : i32
      %scan3A_60 = arith.constant 8 : i32
      %scan3A_61 = arith.addi %scan3A_59, %scan3A_60 : i32
      %scan3A_62 = arith.constant 1 : i32
      %scan3A_63 = scf.for %scan3A_65 = %scan3A_59 to %scan3A_61 step %scan3A_62 iter_args(%scan3A_66 = %scan3A_58) -> (i32)  : i32 {
        %mul3A_67 = arith.constant 16 : i32
        %mul3A_68 = arith.muli %scan3A_65, %mul3A_67 : i32
        %swap3A = arith.index_cast %scan3A_56 : i32 to index
        %swap3A_69 = arith.index_cast %mul3A_68 : i32 to index
        %swap3A_70 = tpu.vector_load %arg11[%swap3A, %swap3A_69] {strides = array<i32>} : memref<120x128xf32, #tpu.memory_space<vmem>>, vector<1x16xf32>,
        %swap3A_71 = vector.shape_cast %swap3A_70 : vector<1x16xf32> to vector<16xf32>
        %swap3A_72 = vector.shape_cast %broadcast_in_dim3A_1 : vector<16xf32> to vector<1x16xf32>
        tpu.vector_store %arg11[%swap3A, %swap3A_69], %swap3A_72 {strides = array<i32>} : memref<120x128xf32, #tpu.memory_space<vmem>>, vector<1x16xf32>,
        %scan3A_73 = arith.constant 0 : i32
        scf.yield %scan3A_73 : i32
      }
      %scan3A_64 = arith.constant 8 : i32
      scf.yield %scan3A_63 : i32
    }
    %scan3A_7 = arith.constant 120 : i32
    %scan3A_8 = arith.constant 0 : i32
    %scan3A_9 = arith.constant 0 : i32
    %scan3A_10 = arith.constant 40 : i32
    %scan3A_11 = arith.addi %scan3A_9, %scan3A_10 : i32
    %scan3A_12 = arith.constant 1 : i32
    %scan3A_13 = scf.for %scan3A_56 = %scan3A_9 to %scan3A_11 step %scan3A_12 iter_args(%scan3A_57 = %scan3A_8) -> (i32)  : i32 {
      %mul3A_58 = arith.constant 16 : i32
      %mul3A_59 = arith.muli %scan3A_56, %mul3A_58 : i32
      %swap3A = arith.index_cast %mul3A_59 : i32 to index
      %swap3A_60 = tpu.vector_load %arg13[%swap3A] {strides = array<i32>} : memref<640xf32, #tpu.memory_space<vmem>>, vector<16xf32>,
      %swap3A_61 = vector.shape_cast %swap3A_60 : vector<16xf32> to vector<16xf32>
      %swap3A_62 = vector.shape_cast %broadcast_in_dim3A_1 : vector<16xf32> to vector<16xf32>
      tpu.vector_store %arg13[%swap3A], %swap3A_62 {strides = array<i32>} : memref<640xf32, #tpu.memory_space<vmem>>, vector<16xf32>,
      %scan3A_63 = arith.constant 0 : i32
      scf.yield %scan3A_63 : i32
    }
    %scan3A_14 = arith.constant 40 : i32
    %scan3A_15 = arith.constant 0 : i32
    %scan3A_16 = arith.constant 0 : i32
    %scan3A_17 = arith.constant 8 : i32
    %scan3A_18 = arith.addi %scan3A_16, %scan3A_17 : i32
    %scan3A_19 = arith.constant 1 : i32
    %scan3A_20 = scf.for %scan3A_56 = %scan3A_16 to %scan3A_18 step %scan3A_19 iter_args(%scan3A_57 = %scan3A_15) -> (i32)  : i32 {
      %mul3A_58 = arith.constant 640 : i32
      %mul3A_59 = arith.muli %arg1, %mul3A_58 : i32
      %mul3A_60 = arith.constant 80 : i32
      %mul3A_61 = arith.muli %scan3A_56, %mul3A_60 : i32
      %add3A_62 = arith.addi %mul3A_59, %mul3A_61 : i32
      "tpu.region"() ({
        %run_scoped3A = tpu.sem_alloc : memref<!tpu.dma_semaphore, #tpu.memory_space<semaphore_mem>>
        %dma_start3A_64 = arith.constant 0 : i32
        %dma_start3A_65 = arith.constant 0 : i32
        %dma_start3A_66 = tpu.memref_slice %arg11[%dma_start3A_64, %dma_start3A_65] : memref<120x128xf32, #tpu.memory_space<vmem>> -> memref<80x128xf32, #tpu.memory_space<vmem>>
        %dma_start3A_67 = arith.constant 0 : i32
        %dma_start3A_68 = tpu.memref_slice %arg14[%add3A_62, %dma_start3A_67] : memref<10240x128xf32, #tpu.memory_space<vmem_shared>> -> memref<80x128xf32, #tpu.memory_space<vmem_shared>>
        %dma_start3A_69 = arith.constant 0 : i32
        %dma_start3A_70 = tpu.memref_slice %arg14[%add3A_62, %dma_start3A_69] : memref<10240x128xf32, #tpu.memory_space<vmem_shared>> -> memref<80x128xf32, #tpu.memory_space<vmem_shared>>
        %dma_start3A_71 = arith.constant 0 : i32
        %dma_start3A_72 = arith.constant 0 : i32
        %dma_start3A_73 = tpu.memref_slice %arg11[%dma_start3A_71, %dma_start3A_72] : memref<120x128xf32, #tpu.memory_space<vmem>> -> memref<80x128xf32, #tpu.memory_space<vmem>>
        tpu.enqueue_dma source(%dma_start3A_73 : memref<80x128xf32, #tpu.memory_space<vmem>>) target(%dma_start3A_70 : memref<80x128xf32, #tpu.memory_space<vmem_shared>>) target_semaphore(%run_scoped3A : memref<!tpu.dma_semaphore, #tpu.memory_space<semaphore_mem>>)
        %dma_wait3A_74 = arith.constant 0 : i32
        %dma_wait3A_75 = arith.constant 0 : i32
        %dma_wait3A_76 = tpu.memref_slice %arg11[%dma_wait3A_74, %dma_wait3A_75] : memref<120x128xf32, #tpu.memory_space<vmem>> -> memref<80x128xf32, #tpu.memory_space<vmem>>
        %dma_wait3A_77 = arith.constant 0 : i32
        %dma_wait3A_78 = tpu.memref_slice %arg14[%add3A_62, %dma_wait3A_77] : memref<10240x128xf32, #tpu.memory_space<vmem_shared>> -> memref<80x128xf32, #tpu.memory_space<vmem_shared>>
        %dma_wait3A_79 = arith.constant 0 : i32
        %dma_wait3A_80 = tpu.memref_slice %arg14[%add3A_62, %dma_wait3A_79] : memref<10240x128xf32, #tpu.memory_space<vmem_shared>> -> memref<80x128xf32, #tpu.memory_space<vmem_shared>>
        %dma_wait3A_81 = arith.constant 0 : i32
        %dma_wait3A_82 = arith.constant 0 : i32
        %dma_wait3A_83 = tpu.memref_slice %arg11[%dma_wait3A_81, %dma_wait3A_82] : memref<120x128xf32, #tpu.memory_space<vmem>> -> memref<80x128xf32, #tpu.memory_space<vmem>>
        tpu.wait_dma2 semaphore(%run_scoped3A : memref<!tpu.dma_semaphore, #tpu.memory_space<semaphore_mem>>) src(%dma_wait3A_83 : memref<80x128xf32, #tpu.memory_space<vmem>>) dst(%dma_wait3A_80 : memref<80x128xf32, #tpu.memory_space<vmem_shared>>)
        tpu.yield
      }) : () -> ()
      %scan3A_63 = arith.constant 0 : i32
      scf.yield %scan3A_63 : i32
    }
    %scan3A_21 = arith.constant 8 : i32
    %mul3A_22 = arith.constant 640 : i32
    %mul3A_23 = arith.muli %arg1, %mul3A_22 : i32
    "tpu.region"() ({
      %run_scoped3A = tpu.sem_alloc : memref<!tpu.dma_semaphore, #tpu.memory_space<semaphore_mem>>
      %dma_start3A_56 = tpu.memref_slice %arg15[%mul3A_23] : memref<10240xf32, #tpu.memory_space<vmem_shared>> -> memref<640xf32, #tpu.memory_space<vmem_shared>>
      %dma_start3A_57 = tpu.memref_slice %arg15[%mul3A_23] : memref<10240xf32, #tpu.memory_space<vmem_shared>> -> memref<640xf32, #tpu.memory_space<vmem_shared>>
      tpu.enqueue_dma source(%arg13 : memref<640xf32, #tpu.memory_space<vmem>>) target(%dma_start3A_57 : memref<640xf32, #tpu.memory_space<vmem_shared>>) target_semaphore(%run_scoped3A : memref<!tpu.dma_semaphore, #tpu.memory_space<semaphore_mem>>)
      %dma_wait3A_58 = tpu.memref_slice %arg15[%mul3A_23] : memref<10240xf32, #tpu.memory_space<vmem_shared>> -> memref<640xf32, #tpu.memory_space<vmem_shared>>
      %dma_wait3A_59 = tpu.memref_slice %arg15[%mul3A_23] : memref<10240xf32, #tpu.memory_space<vmem_shared>> -> memref<640xf32, #tpu.memory_space<vmem_shared>>
      tpu.wait_dma2 semaphore(%run_scoped3A : memref<!tpu.dma_semaphore, #tpu.memory_space<semaphore_mem>>) src(%arg13 : memref<640xf32, #tpu.memory_space<vmem>>) dst(%dma_wait3A_59 : memref<640xf32, #tpu.memory_space<vmem_shared>>)
      tpu.yield
    }) : () -> ()
    %barrier3A = arith.constant 0 : index
    tpu.barrier barrier_id(%barrier3A)
    %mul3A_24 = arith.constant 3600 : i32
    %mul3A_25 = arith.muli %add3A, %mul3A_24 : i32
    %add3A_26 = arith.constant 0 : i32
    %add3A_27 = arith.addi %mul3A_25, %add3A_26 : i32
    %dma_start3A = arith.constant 0 : i32
    %dma_start3A_28 = tpu.memref_slice %arg2[%add3A_27, %dma_start3A] : memref<115200x128xf32, #tpu.memory_space<hbm>> -> memref<120x128xf32, #tpu.memory_space<hbm>>
    %dma_start3A_29 = arith.constant 0 : i32
    %dma_start3A_30 = tpu.memref_slice %arg2[%add3A_27, %dma_start3A_29] : memref<115200x128xf32, #tpu.memory_space<hbm>> -> memref<120x128xf32, #tpu.memory_space<hbm>>
    tpu.enqueue_dma source(%dma_start3A_30 : memref<120x128xf32, #tpu.memory_space<hbm>>) target(%arg11 : memref<120x128xf32, #tpu.memory_space<vmem>>) target_semaphore(%arg16 : memref<!tpu.dma_semaphore, #tpu.memory_space<semaphore_mem>>)
    %dma_start3A_31 = tpu.memref_slice %arg4[%add3A_27] : memref<115200xi32, #tpu.memory_space<hbm>> -> memref<120xi32, #tpu.memory_space<hbm>>
    %dma_start3A_32 = tpu.memref_slice %arg4[%add3A_27] : memref<115200xi32, #tpu.memory_space<hbm>> -> memref<120xi32, #tpu.memory_space<hbm>>
    tpu.enqueue_dma source(%dma_start3A_32 : memref<120xi32, #tpu.memory_space<hbm>>) target(%arg7 : memref<120xi32, #tpu.memory_space<vmem>>) target_semaphore(%arg16 : memref<!tpu.dma_semaphore, #tpu.memory_space<semaphore_mem>>)
    %dma_start3A_33 = tpu.memref_slice %arg3[%add3A_27] : memref<115200xf32, #tpu.memory_space<hbm>> -> memref<120xf32, #tpu.memory_space<hbm>>
    %dma_start3A_34 = tpu.memref_slice %arg3[%add3A_27] : memref<115200xf32, #tpu.memory_space<hbm>> -> memref<120xf32, #tpu.memory_space<hbm>>
    tpu.enqueue_dma source(%dma_start3A_34 : memref<120xf32, #tpu.memory_space<hbm>>) target(%arg9 : memref<120xf32, #tpu.memory_space<vmem>>) target_semaphore(%arg16 : memref<!tpu.dma_semaphore, #tpu.memory_space<semaphore_mem>>)
    %scan3A_35 = arith.constant 0 : i32
    %scan3A_36 = arith.constant 0 : i32
    %scan3A_37 = arith.constant 15 : i32
    %scan3A_38 = arith.addi %scan3A_36, %scan3A_37 : i32
    %scan3A_39 = arith.constant 1 : i32
    %scan3A_40 = scf.for %scan3A_56 = %scan3A_36 to %scan3A_38 step %scan3A_39 iter_args(%scan3A_57 = %scan3A_35) -> (i32)  : i32 {
      %mul3A_58 = arith.constant 2 : i32
      %mul3A_59 = arith.muli %mul3A_58, %scan3A_56 : i32
      %mul3A_60 = arith.constant 3600 : i32
      %mul3A_61 = arith.muli %add3A, %mul3A_60 : i32
      %mul3A_62 = arith.constant 120 : i32
      %mul3A_63 = arith.muli %mul3A_59, %mul3A_62 : i32
      %add3A_64 = arith.addi %mul3A_61, %mul3A_63 : i32
      %dma_wait3A_65 = arith.constant 0 : i32
      %dma_wait3A_66 = tpu.memref_slice %arg2[%add3A_64, %dma_wait3A_65] : memref<115200x128xf32, #tpu.memory_space<hbm>> -> memref<120x128xf32, #tpu.memory_space<hbm>>
      %dma_wait3A_67 = arith.constant 0 : i32
      %dma_wait3A_68 = tpu.memref_slice %arg2[%add3A_64, %dma_wait3A_67] : memref<115200x128xf32, #tpu.memory_space<hbm>> -> memref<120x128xf32, #tpu.memory_space<hbm>>
      tpu.wait_dma2 semaphore(%arg16 : memref<!tpu.dma_semaphore, #tpu.memory_space<semaphore_mem>>) src(%dma_wait3A_68 : memref<120x128xf32, #tpu.memory_space<hbm>>) dst(%arg11 : memref<120x128xf32, #tpu.memory_space<vmem>>)
      %dma_wait3A_69 = tpu.memref_slice %arg4[%add3A_64] : memref<115200xi32, #tpu.memory_space<hbm>> -> memref<120xi32, #tpu.memory_space<hbm>>
      %dma_wait3A_70 = tpu.memref_slice %arg4[%add3A_64] : memref<115200xi32, #tpu.memory_space<hbm>> -> memref<120xi32, #tpu.memory_space<hbm>>
      tpu.wait_dma2 semaphore(%arg16 : memref<!tpu.dma_semaphore, #tpu.memory_space<semaphore_mem>>) src(%dma_wait3A_70 : memref<120xi32, #tpu.memory_space<hbm>>) dst(%arg7 : memref<120xi32, #tpu.memory_space<vmem>>)
      %dma_wait3A_71 = tpu.memref_slice %arg3[%add3A_64] : memref<115200xf32, #tpu.memory_space<hbm>> -> memref<120xf32, #tpu.memory_space<hbm>>
      %dma_wait3A_72 = tpu.memref_slice %arg3[%add3A_64] : memref<115200xf32, #tpu.memory_space<hbm>> -> memref<120xf32, #tpu.memory_space<hbm>>
      tpu.wait_dma2 semaphore(%arg16 : memref<!tpu.dma_semaphore, #tpu.memory_space<semaphore_mem>>) src(%dma_wait3A_72 : memref<120xf32, #tpu.memory_space<hbm>>) dst(%arg9 : memref<120xf32, #tpu.memory_space<vmem>>)
      %add3A_73 = arith.constant 1 : i32
      %add3A_74 = arith.addi %mul3A_59, %add3A_73 : i32
      %lt3A = arith.constant 30 : i32
      %lt3A_75 = arith.cmpi slt, %add3A_74, %lt3A : i32
      %convert_element_type3A = arith.extui %lt3A_75 : i1 to i32
      %cond3A = arith.constant 0 : i32
      %cond3A_76 = arith.cmpi ne, %convert_element_type3A, %cond3A : i32
      scf.if %cond3A_76 {
        %gt3A = arith.constant 0 : i32
        %gt3A_88 = arith.cmpi sgt, %mul3A_59, %gt3A : i32
        %convert_element_type3A_89 = arith.extui %gt3A_88 : i1 to i32
        %cond3A_90 = arith.constant 0 : i32
        %cond3A_91 = arith.cmpi ne, %convert_element_type3A_89, %cond3A_90 : i32
        scf.if %cond3A_91 {
          %dma_wait3A_107 = arith.constant 0 : i32
          %dma_wait3A_108 = arith.constant 0 : i32
          %dma_wait3A_109 = tpu.memref_slice %arg14[%dma_wait3A_107, %dma_wait3A_108] : memref<10240x128xf32, #tpu.memory_space<vmem_shared>> -> memref<10240x128xf32, #tpu.memory_space<vmem_shared>>
          tpu.wait_indirect_dma semaphore(%arg19 : memref<!tpu.dma_semaphore, #tpu.memory_space<semaphore_mem>>) src(%arg12 : memref<120x128xf32, #tpu.memory_space<vmem>>) dst(%dma_wait3A_109 : memref<10240x128xf32, #tpu.memory_space<vmem_shared>>)
        } else {
        }
        %add3A_92 = arith.constant 1 : i32
        %add3A_93 = arith.addi %mul3A_59, %add3A_92 : i32
        %mul3A_94 = arith.constant 3600 : i32
        %mul3A_95 = arith.muli %add3A, %mul3A_94 : i32
        %mul3A_96 = arith.constant 120 : i32
        %mul3A_97 = arith.muli %add3A_93, %mul3A_96 : i32
        %add3A_98 = arith.addi %mul3A_95, %mul3A_97 : i32
        %dma_start3A_99 = arith.constant 0 : i32
        %dma_start3A_100 = tpu.memref_slice %arg2[%add3A_98, %dma_start3A_99] : memref<115200x128xf32, #tpu.memory_space<hbm>> -> memref<120x128xf32, #tpu.memory_space<hbm>>
        %dma_start3A_101 = arith.constant 0 : i32
        %dma_start3A_102 = tpu.memref_slice %arg2[%add3A_98, %dma_start3A_101] : memref<115200x128xf32, #tpu.memory_space<hbm>> -> memref<120x128xf32, #tpu.memory_space<hbm>>
        tpu.enqueue_dma source(%dma_start3A_102 : memref<120x128xf32, #tpu.memory_space<hbm>>) target(%arg12 : memref<120x128xf32, #tpu.memory_space<vmem>>) target_semaphore(%arg17 : memref<!tpu.dma_semaphore, #tpu.memory_space<semaphore_mem>>)
        %dma_start3A_103 = tpu.memref_slice %arg4[%add3A_98] : memref<115200xi32, #tpu.memory_space<hbm>> -> memref<120xi32, #tpu.memory_space<hbm>>
        %dma_start3A_104 = tpu.memref_slice %arg4[%add3A_98] : memref<115200xi32, #tpu.memory_space<hbm>> -> memref<120xi32, #tpu.memory_space<hbm>>
        tpu.enqueue_dma source(%dma_start3A_104 : memref<120xi32, #tpu.memory_space<hbm>>) target(%arg8 : memref<120xi32, #tpu.memory_space<vmem>>) target_semaphore(%arg17 : memref<!tpu.dma_semaphore, #tpu.memory_space<semaphore_mem>>)
        %dma_start3A_105 = tpu.memref_slice %arg3[%add3A_98] : memref<115200xf32, #tpu.memory_space<hbm>> -> memref<120xf32, #tpu.memory_space<hbm>>
        %dma_start3A_106 = tpu.memref_slice %arg3[%add3A_98] : memref<115200xf32, #tpu.memory_space<hbm>> -> memref<120xf32, #tpu.memory_space<hbm>>
        tpu.enqueue_dma source(%dma_start3A_106 : memref<120xf32, #tpu.memory_space<hbm>>) target(%arg10 : memref<120xf32, #tpu.memory_space<vmem>>) target_semaphore(%arg17 : memref<!tpu.dma_semaphore, #tpu.memory_space<semaphore_mem>>)
      } else {
      }
      %dma_start3A_77 = arith.constant 0 : i32
      %dma_start3A_78 = arith.constant 0 : i32
      %dma_start3A_79 = tpu.memref_slice %arg14[%dma_start3A_77, %dma_start3A_78] : memref<10240x128xf32, #tpu.memory_space<vmem_shared>> -> memref<10240x128xf32, #tpu.memory_space<vmem_shared>>
      tpu.enqueue_indirect_dma source(%arg11 : memref<120x128xf32, #tpu.memory_space<vmem>>) target(%dma_start3A_79 : memref<10240x128xf32, #tpu.memory_space<vmem_shared>>) offsets(%arg7 : memref<120xi32, #tpu.memory_space<vmem>>) semaphore(%arg18 : memref<!tpu.dma_semaphore, #tpu.memory_space<semaphore_mem>>) {add = true}
      "tpu.region"() ({
        %run_scoped3A = tpu.sem_alloc : memref<!tpu.dma_semaphore, #tpu.memory_space<semaphore_mem>>
        %dma_start3A_88 = arith.constant 0 : i32
        %dma_start3A_89 = tpu.memref_slice %arg15[%dma_start3A_88] : memref<10240xf32, #tpu.memory_space<vmem_shared>> -> memref<10240xf32, #tpu.memory_space<vmem_shared>>
        tpu.enqueue_indirect_dma source(%arg9 : memref<120xf32, #tpu.memory_space<vmem>>) target(%dma_start3A_89 : memref<10240xf32, #tpu.memory_space<vmem_shared>>) offsets(%arg7 : memref<120xi32, #tpu.memory_space<vmem>>) semaphore(%run_scoped3A : memref<!tpu.dma_semaphore, #tpu.memory_space<semaphore_mem>>) {add = true}
        %dma_wait3A_90 = arith.constant 0 : i32
        %dma_wait3A_91 = tpu.memref_slice %arg15[%dma_wait3A_90] : memref<10240xf32, #tpu.memory_space<vmem_shared>> -> memref<10240xf32, #tpu.memory_space<vmem_shared>>
        tpu.wait_indirect_dma semaphore(%run_scoped3A : memref<!tpu.dma_semaphore, #tpu.memory_space<semaphore_mem>>) src(%arg9 : memref<120xf32, #tpu.memory_space<vmem>>) dst(%dma_wait3A_91 : memref<10240xf32, #tpu.memory_space<vmem_shared>>)
        tpu.yield
      }) : () -> ()
      %add3A_80 = arith.constant 1 : i32
      %add3A_81 = arith.addi %mul3A_59, %add3A_80 : i32
      %lt3A_82 = arith.constant 30 : i32
      %lt3A_83 = arith.cmpi slt, %add3A_81, %lt3A_82 : i32
      %convert_element_type3A_84 = arith.extui %lt3A_83 : i1 to i32
      %cond3A_85 = arith.constant 0 : i32
      %cond3A_86 = arith.cmpi ne, %convert_element_type3A_84, %cond3A_85 : i32
      scf.if %cond3A_86 {
        %add3A_88 = arith.constant 1 : i32
        %add3A_89 = arith.addi %mul3A_59, %add3A_88 : i32
        %mul3A_90 = arith.constant 3600 : i32
        %mul3A_91 = arith.muli %add3A, %mul3A_90 : i32
        %mul3A_92 = arith.constant 120 : i32
        %mul3A_93 = arith.muli %add3A_89, %mul3A_92 : i32
        %add3A_94 = arith.addi %mul3A_91, %mul3A_93 : i32
        %dma_wait3A_95 = arith.constant 0 : i32
        %dma_wait3A_96 = tpu.memref_slice %arg2[%add3A_94, %dma_wait3A_95] : memref<115200x128xf32, #tpu.memory_space<hbm>> -> memref<120x128xf32, #tpu.memory_space<hbm>>
        %dma_wait3A_97 = arith.constant 0 : i32
        %dma_wait3A_98 = tpu.memref_slice %arg2[%add3A_94, %dma_wait3A_97] : memref<115200x128xf32, #tpu.memory_space<hbm>> -> memref<120x128xf32, #tpu.memory_space<hbm>>
        tpu.wait_dma2 semaphore(%arg17 : memref<!tpu.dma_semaphore, #tpu.memory_space<semaphore_mem>>) src(%dma_wait3A_98 : memref<120x128xf32, #tpu.memory_space<hbm>>) dst(%arg12 : memref<120x128xf32, #tpu.memory_space<vmem>>)
        %dma_wait3A_99 = tpu.memref_slice %arg4[%add3A_94] : memref<115200xi32, #tpu.memory_space<hbm>> -> memref<120xi32, #tpu.memory_space<hbm>>
        %dma_wait3A_100 = tpu.memref_slice %arg4[%add3A_94] : memref<115200xi32, #tpu.memory_space<hbm>> -> memref<120xi32, #tpu.memory_space<hbm>>
        tpu.wait_dma2 semaphore(%arg17 : memref<!tpu.dma_semaphore, #tpu.memory_space<semaphore_mem>>) src(%dma_wait3A_100 : memref<120xi32, #tpu.memory_space<hbm>>) dst(%arg8 : memref<120xi32, #tpu.memory_space<vmem>>)
        %dma_wait3A_101 = tpu.memref_slice %arg3[%add3A_94] : memref<115200xf32, #tpu.memory_space<hbm>> -> memref<120xf32, #tpu.memory_space<hbm>>
        %dma_wait3A_102 = tpu.memref_slice %arg3[%add3A_94] : memref<115200xf32, #tpu.memory_space<hbm>> -> memref<120xf32, #tpu.memory_space<hbm>>
        tpu.wait_dma2 semaphore(%arg17 : memref<!tpu.dma_semaphore, #tpu.memory_space<semaphore_mem>>) src(%dma_wait3A_102 : memref<120xf32, #tpu.memory_space<hbm>>) dst(%arg10 : memref<120xf32, #tpu.memory_space<vmem>>)
        %add3A_103 = arith.constant 2 : i32
        %add3A_104 = arith.addi %mul3A_59, %add3A_103 : i32
        %lt3A_105 = arith.constant 30 : i32
        %lt3A_106 = arith.cmpi slt, %add3A_104, %lt3A_105 : i32
        %convert_element_type3A_107 = arith.extui %lt3A_106 : i1 to i32
        %cond3A_108 = arith.constant 0 : i32
        %cond3A_109 = arith.cmpi ne, %convert_element_type3A_107, %cond3A_108 : i32
        scf.if %cond3A_109 {
          %dma_wait3A_113 = arith.constant 0 : i32
          %dma_wait3A_114 = arith.constant 0 : i32
          %dma_wait3A_115 = tpu.memref_slice %arg14[%dma_wait3A_113, %dma_wait3A_114] : memref<10240x128xf32, #tpu.memory_space<vmem_shared>> -> memref<10240x128xf32, #tpu.memory_space<vmem_shared>>
          tpu.wait_indirect_dma semaphore(%arg18 : memref<!tpu.dma_semaphore, #tpu.memory_space<semaphore_mem>>) src(%arg11 : memref<120x128xf32, #tpu.memory_space<vmem>>) dst(%dma_wait3A_115 : memref<10240x128xf32, #tpu.memory_space<vmem_shared>>)
          %add3A_116 = arith.constant 2 : i32
          %add3A_117 = arith.addi %mul3A_59, %add3A_116 : i32
          %mul3A_118 = arith.constant 3600 : i32
          %mul3A_119 = arith.muli %add3A, %mul3A_118 : i32
          %mul3A_120 = arith.constant 120 : i32
          %mul3A_121 = arith.muli %add3A_117, %mul3A_120 : i32
          %add3A_122 = arith.addi %mul3A_119, %mul3A_121 : i32
          %dma_start3A_123 = arith.constant 0 : i32
          %dma_start3A_124 = tpu.memref_slice %arg2[%add3A_122, %dma_start3A_123] : memref<115200x128xf32, #tpu.memory_space<hbm>> -> memref<120x128xf32, #tpu.memory_space<hbm>>
          %dma_start3A_125 = arith.constant 0 : i32
          %dma_start3A_126 = tpu.memref_slice %arg2[%add3A_122, %dma_start3A_125] : memref<115200x128xf32, #tpu.memory_space<hbm>> -> memref<120x128xf32, #tpu.memory_space<hbm>>
          tpu.enqueue_dma source(%dma_start3A_126 : memref<120x128xf32, #tpu.memory_space<hbm>>) target(%arg11 : memref<120x128xf32, #tpu.memory_space<vmem>>) target_semaphore(%arg16 : memref<!tpu.dma_semaphore, #tpu.memory_space<semaphore_mem>>)
          %dma_start3A_127 = tpu.memref_slice %arg4[%add3A_122] : memref<115200xi32, #tpu.memory_space<hbm>> -> memref<120xi32, #tpu.memory_space<hbm>>
          %dma_start3A_128 = tpu.memref_slice %arg4[%add3A_122] : memref<115200xi32, #tpu.memory_space<hbm>> -> memref<120xi32, #tpu.memory_space<hbm>>
          tpu.enqueue_dma source(%dma_start3A_128 : memref<120xi32, #tpu.memory_space<hbm>>) target(%arg7 : memref<120xi32, #tpu.memory_space<vmem>>) target_semaphore(%arg16 : memref<!tpu.dma_semaphore, #tpu.memory_space<semaphore_mem>>)
          %dma_start3A_129 = tpu.memref_slice %arg3[%add3A_122] : memref<115200xf32, #tpu.memory_space<hbm>> -> memref<120xf32, #tpu.memory_space<hbm>>
          %dma_start3A_130 = tpu.memref_slice %arg3[%add3A_122] : memref<115200xf32, #tpu.memory_space<hbm>> -> memref<120xf32, #tpu.memory_space<hbm>>
          tpu.enqueue_dma source(%dma_start3A_130 : memref<120xf32, #tpu.memory_space<hbm>>) target(%arg9 : memref<120xf32, #tpu.memory_space<vmem>>) target_semaphore(%arg16 : memref<!tpu.dma_semaphore, #tpu.memory_space<semaphore_mem>>)
        } else {
        }
        %dma_start3A_110 = arith.constant 0 : i32
        %dma_start3A_111 = arith.constant 0 : i32
        %dma_start3A_112 = tpu.memref_slice %arg14[%dma_start3A_110, %dma_start3A_111] : memref<10240x128xf32, #tpu.memory_space<vmem_shared>> -> memref<10240x128xf32, #tpu.memory_space<vmem_shared>>
        tpu.enqueue_indirect_dma source(%arg12 : memref<120x128xf32, #tpu.memory_space<vmem>>) target(%dma_start3A_112 : memref<10240x128xf32, #tpu.memory_space<vmem_shared>>) offsets(%arg8 : memref<120xi32, #tpu.memory_space<vmem>>) semaphore(%arg19 : memref<!tpu.dma_semaphore, #tpu.memory_space<semaphore_mem>>) {add = true}
        "tpu.region"() ({
          %run_scoped3A = tpu.sem_alloc : memref<!tpu.dma_semaphore, #tpu.memory_space<semaphore_mem>>
          %dma_start3A_113 = arith.constant 0 : i32
          %dma_start3A_114 = tpu.memref_slice %arg15[%dma_start3A_113] : memref<10240xf32, #tpu.memory_space<vmem_shared>> -> memref<10240xf32, #tpu.memory_space<vmem_shared>>
          tpu.enqueue_indirect_dma source(%arg10 : memref<120xf32, #tpu.memory_space<vmem>>) target(%dma_start3A_114 : memref<10240xf32, #tpu.memory_space<vmem_shared>>) offsets(%arg8 : memref<120xi32, #tpu.memory_space<vmem>>) semaphore(%run_scoped3A : memref<!tpu.dma_semaphore, #tpu.memory_space<semaphore_mem>>) {add = true}
          %dma_wait3A_115 = arith.constant 0 : i32
          %dma_wait3A_116 = tpu.memref_slice %arg15[%dma_wait3A_115] : memref<10240xf32, #tpu.memory_space<vmem_shared>> -> memref<10240xf32, #tpu.memory_space<vmem_shared>>
          tpu.wait_indirect_dma semaphore(%run_scoped3A : memref<!tpu.dma_semaphore, #tpu.memory_space<semaphore_mem>>) src(%arg10 : memref<120xf32, #tpu.memory_space<vmem>>) dst(%dma_wait3A_116 : memref<10240xf32, #tpu.memory_space<vmem_shared>>)
          tpu.yield
        }) : () -> ()
      } else {
      }
      %scan3A_87 = arith.constant 0 : i32
      scf.yield %scan3A_87 : i32
    }
    %scan3A_41 = arith.constant 15 : i32
    %dma_wait3A = arith.constant 0 : i32
    %dma_wait3A_42 = arith.constant 0 : i32
    %dma_wait3A_43 = tpu.memref_slice %arg14[%dma_wait3A, %dma_wait3A_42] : memref<10240x128xf32, #tpu.memory_space<vmem_shared>> -> memref<10240x128xf32, #tpu.memory_space<vmem_shared>>
    tpu.wait_indirect_dma semaphore(%arg18 : memref<!tpu.dma_semaphore, #tpu.memory_space<semaphore_mem>>) src(%arg11 : memref<120x128xf32, #tpu.memory_space<vmem>>) dst(%dma_wait3A_43 : memref<10240x128xf32, #tpu.memory_space<vmem_shared>>)
    %dma_wait3A_44 = arith.constant 0 : i32
    %dma_wait3A_45 = arith.constant 0 : i32
    %dma_wait3A_46 = tpu.memref_slice %arg14[%dma_wait3A_44, %dma_wait3A_45] : memref<10240x128xf32, #tpu.memory_space<vmem_shared>> -> memref<10240x128xf32, #tpu.memory_space<vmem_shared>>
    tpu.wait_indirect_dma semaphore(%arg19 : memref<!tpu.dma_semaphore, #tpu.memory_space<semaphore_mem>>) src(%arg12 : memref<120x128xf32, #tpu.memory_space<vmem>>) dst(%dma_wait3A_46 : memref<10240x128xf32, #tpu.memory_space<vmem_shared>>)
    %barrier3A_47 = arith.constant 0 : index
    tpu.barrier barrier_id(%barrier3A_47)
    %mul3A_48 = arith.constant 640 : i32
    %mul3A_49 = arith.muli %arg1, %mul3A_48 : i32
    %mul3A_50 = arith.constant 640 : i32
    %mul3A_51 = arith.muli %arg1, %mul3A_50 : i32
    "tpu.region"() ({
      %run_scoped3A = tpu.sem_alloc : memref<!tpu.dma_semaphore, #tpu.memory_space<semaphore_mem>>
      %dma_start3A_56 = arith.constant 0 : i32
      %dma_start3A_57 = tpu.memref_slice %arg5[%arg0, %mul3A_51, %dma_start3A_56] : memref<2x10240x128xf32, #tpu.memory_space<hbm>> -> memref<1x640x128xf32, #tpu.memory_space<hbm>>
      %dma_start3A_58 = tpu.memref_squeeze %dma_start3A_57 : memref<1x640x128xf32, #tpu.memory_space<hbm>> -> memref<640x128xf32, #tpu.memory_space<hbm>>
      %dma_start3A_59 = arith.constant 0 : i32
      %dma_start3A_60 = tpu.memref_slice %arg14[%mul3A_49, %dma_start3A_59] : memref<10240x128xf32, #tpu.memory_space<vmem_shared>> -> memref<640x128xf32, #tpu.memory_space<vmem_shared>>
      tpu.enqueue_dma source(%dma_start3A_60 : memref<640x128xf32, #tpu.memory_space<vmem_shared>>) target(%dma_start3A_58 : memref<640x128xf32, #tpu.memory_space<hbm>>) target_semaphore(%run_scoped3A : memref<!tpu.dma_semaphore, #tpu.memory_space<semaphore_mem>>)
      %dma_wait3A_61 = arith.constant 0 : i32
      %dma_wait3A_62 = tpu.memref_slice %arg5[%arg0, %mul3A_51, %dma_wait3A_61] : memref<2x10240x128xf32, #tpu.memory_space<hbm>> -> memref<1x640x128xf32, #tpu.memory_space<hbm>>
      %dma_wait3A_63 = tpu.memref_squeeze %dma_wait3A_62 : memref<1x640x128xf32, #tpu.memory_space<hbm>> -> memref<640x128xf32, #tpu.memory_space<hbm>>
      %dma_wait3A_64 = arith.constant 0 : i32
      %dma_wait3A_65 = tpu.memref_slice %arg14[%mul3A_49, %dma_wait3A_64] : memref<10240x128xf32, #tpu.memory_space<vmem_shared>> -> memref<640x128xf32, #tpu.memory_space<vmem_shared>>
      tpu.wait_dma2 semaphore(%run_scoped3A : memref<!tpu.dma_semaphore, #tpu.memory_space<semaphore_mem>>) src(%dma_wait3A_65 : memref<640x128xf32, #tpu.memory_space<vmem_shared>>) dst(%dma_wait3A_63 : memref<640x128xf32, #tpu.memory_space<hbm>>)
      tpu.yield
    }) : () -> ()
    %mul3A_52 = arith.constant 640 : i32
    %mul3A_53 = arith.muli %arg1, %mul3A_52 : i32
    %mul3A_54 = arith.constant 640 : i32
    %mul3A_55 = arith.muli %arg1, %mul3A_54 : i32
    "tpu.region"() ({
      %run_scoped3A = tpu.sem_alloc : memref<!tpu.dma_semaphore, #tpu.memory_space<semaphore_mem>>
      %dma_start3A_56 = tpu.memref_slice %arg6[%arg0, %mul3A_55] : memref<2x10240xf32, #tpu.memory_space<hbm>> -> memref<1x640xf32, #tpu.memory_space<hbm>>
      %dma_start3A_57 = tpu.memref_squeeze %dma_start3A_56 : memref<1x640xf32, #tpu.memory_space<hbm>> -> memref<640xf32, #tpu.memory_space<hbm>>
      %dma_start3A_58 = tpu.memref_slice %arg15[%mul3A_53] : memref<10240xf32, #tpu.memory_space<vmem_shared>> -> memref<640xf32, #tpu.memory_space<vmem_shared>>
      tpu.enqueue_dma source(%dma_start3A_58 : memref<640xf32, #tpu.memory_space<vmem_shared>>) target(%dma_start3A_57 : memref<640xf32, #tpu.memory_space<hbm>>) target_semaphore(%run_scoped3A : memref<!tpu.dma_semaphore, #tpu.memory_space<semaphore_mem>>)
      %dma_wait3A_59 = tpu.memref_slice %arg6[%arg0, %mul3A_55] : memref<2x10240xf32, #tpu.memory_space<hbm>> -> memref<1x640xf32, #tpu.memory_space<hbm>>
      %dma_wait3A_60 = tpu.memref_squeeze %dma_wait3A_59 : memref<1x640xf32, #tpu.memory_space<hbm>> -> memref<640xf32, #tpu.memory_space<hbm>>
      %dma_wait3A_61 = tpu.memref_slice %arg15[%mul3A_53] : memref<10240xf32, #tpu.memory_space<vmem_shared>> -> memref<640xf32, #tpu.memory_space<vmem_shared>>
      tpu.wait_dma2 semaphore(%run_scoped3A : memref<!tpu.dma_semaphore, #tpu.memory_space<semaphore_mem>>) src(%dma_wait3A_61 : memref<640xf32, #tpu.memory_space<vmem_shared>>) dst(%dma_wait3A_60 : memref<640xf32, #tpu.memory_space<hbm>>)
      tpu.yield
    }) : () -> ()
    return
  }
}

#map = affine_map<(d0, d1) -> (0, 0)>
#map1 = affine_map<(d0, d1) -> (0)>
#map2 = affine_map<(d0, d1) -> (0, 0, 0)>
module attributes {stable_mosaic.version = 14 : i64} {
  func.func @_sc_scatter_body(%arg0: i32, %arg1: i32, %arg2: memref<204800x128xf32, #tpu.memory_space<hbm>>, %arg3: memref<204800xf32, #tpu.memory_space<hbm>>, %arg4: memref<204800xi32, #tpu.memory_space<hbm>>, %arg5: memref<2x10240x128xf32, #tpu.memory_space<hbm>>, %arg6: memref<2x10240xf32, #tpu.memory_space<hbm>>, %arg7: memref<128xi32, #tpu.memory_space<vmem>>, %arg8: memref<128xi32, #tpu.memory_space<vmem>>, %arg9: memref<128xf32, #tpu.memory_space<vmem>>, %arg10: memref<128xf32, #tpu.memory_space<vmem>>, %arg11: memref<128x128xf32, #tpu.memory_space<vmem>>, %arg12: memref<128x128xf32, #tpu.memory_space<vmem>>, %arg13: memref<640xf32, #tpu.memory_space<vmem>>, %arg14: memref<10240x128xf32, #tpu.memory_space<vmem_shared>>, %arg15: memref<10240xf32, #tpu.memory_space<vmem_shared>>, %arg16: memref<!tpu.dma_semaphore, #tpu.memory_space<semaphore_mem>>, %arg17: memref<!tpu.dma_semaphore, #tpu.memory_space<semaphore_mem>>, %arg18: memref<!tpu.dma_semaphore, #tpu.memory_space<semaphore_mem>>, %arg19: memref<!tpu.dma_semaphore, #tpu.memory_space<semaphore_mem>>) attributes {dimension_semantics = [#tpu.dimension_semantics<core_parallel>, #tpu.dimension_semantics<subcore_parallel>], iteration_bounds = array<i64: 2, 16>, scalar_prefetch = 0 : i64, scratch_operands = 13 : i64, tpu.core_type = #tpu.core_type<sc_vector_subcore>, window_params = [{transform_indices = #map}, {transform_indices = #map1}, {transform_indices = #map1}, {transform_indices = #map2}, {transform_indices = #map}]} {
    %mul3A = arith.constant 16 : i32
    %mul3A_0 = arith.muli %arg0, %mul3A : i32
    %add3A = arith.addi %mul3A_0, %arg1 : i32
    %broadcast_in_dim3A = arith.constant 0.000000e+00 : f32
    %broadcast_in_dim3A_1 = vector.broadcast %broadcast_in_dim3A : f32 to vector<16xf32>
    %scan3A = arith.constant 0 : i32
    %scan3A_2 = arith.constant 0 : i32
    %scan3A_3 = arith.constant 128 : i32
    %scan3A_4 = arith.addi %scan3A_2, %scan3A_3 : i32
    %scan3A_5 = arith.constant 1 : i32
    %scan3A_6 = scf.for %scan3A_56 = %scan3A_2 to %scan3A_4 step %scan3A_5 iter_args(%scan3A_57 = %scan3A) -> (i32)  : i32 {
      %scan3A_58 = arith.constant 0 : i32
      %scan3A_59 = arith.constant 0 : i32
      %scan3A_60 = arith.constant 8 : i32
      %scan3A_61 = arith.addi %scan3A_59, %scan3A_60 : i32
      %scan3A_62 = arith.constant 1 : i32
      %scan3A_63 = scf.for %scan3A_65 = %scan3A_59 to %scan3A_61 step %scan3A_62 iter_args(%scan3A_66 = %scan3A_58) -> (i32)  : i32 {
        %mul3A_67 = arith.constant 16 : i32
        %mul3A_68 = arith.muli %scan3A_65, %mul3A_67 : i32
        %swap3A = arith.index_cast %scan3A_56 : i32 to index
        %swap3A_69 = arith.index_cast %mul3A_68 : i32 to index
        %swap3A_70 = tpu.vector_load %arg11[%swap3A, %swap3A_69] {strides = array<i32>} : memref<128x128xf32, #tpu.memory_space<vmem>>, vector<1x16xf32>,
        %swap3A_71 = vector.shape_cast %swap3A_70 : vector<1x16xf32> to vector<16xf32>
        %swap3A_72 = vector.shape_cast %broadcast_in_dim3A_1 : vector<16xf32> to vector<1x16xf32>
        tpu.vector_store %arg11[%swap3A, %swap3A_69], %swap3A_72 {strides = array<i32>} : memref<128x128xf32, #tpu.memory_space<vmem>>, vector<1x16xf32>,
        %scan3A_73 = arith.constant 0 : i32
        scf.yield %scan3A_73 : i32
      }
      %scan3A_64 = arith.constant 8 : i32
      scf.yield %scan3A_63 : i32
    }
    %scan3A_7 = arith.constant 128 : i32
    %scan3A_8 = arith.constant 0 : i32
    %scan3A_9 = arith.constant 0 : i32
    %scan3A_10 = arith.constant 40 : i32
    %scan3A_11 = arith.addi %scan3A_9, %scan3A_10 : i32
    %scan3A_12 = arith.constant 1 : i32
    %scan3A_13 = scf.for %scan3A_56 = %scan3A_9 to %scan3A_11 step %scan3A_12 iter_args(%scan3A_57 = %scan3A_8) -> (i32)  : i32 {
      %mul3A_58 = arith.constant 16 : i32
      %mul3A_59 = arith.muli %scan3A_56, %mul3A_58 : i32
      %swap3A = arith.index_cast %mul3A_59 : i32 to index
      %swap3A_60 = tpu.vector_load %arg13[%swap3A] {strides = array<i32>} : memref<640xf32, #tpu.memory_space<vmem>>, vector<16xf32>,
      %swap3A_61 = vector.shape_cast %swap3A_60 : vector<16xf32> to vector<16xf32>
      %swap3A_62 = vector.shape_cast %broadcast_in_dim3A_1 : vector<16xf32> to vector<16xf32>
      tpu.vector_store %arg13[%swap3A], %swap3A_62 {strides = array<i32>} : memref<640xf32, #tpu.memory_space<vmem>>, vector<16xf32>,
      %scan3A_63 = arith.constant 0 : i32
      scf.yield %scan3A_63 : i32
    }
    %scan3A_14 = arith.constant 40 : i32
    %scan3A_15 = arith.constant 0 : i32
    %scan3A_16 = arith.constant 0 : i32
    %scan3A_17 = arith.constant 5 : i32
    %scan3A_18 = arith.addi %scan3A_16, %scan3A_17 : i32
    %scan3A_19 = arith.constant 1 : i32
    %scan3A_20 = scf.for %scan3A_56 = %scan3A_16 to %scan3A_18 step %scan3A_19 iter_args(%scan3A_57 = %scan3A_15) -> (i32)  : i32 {
      %mul3A_58 = arith.constant 640 : i32
      %mul3A_59 = arith.muli %arg1, %mul3A_58 : i32
      %mul3A_60 = arith.constant 128 : i32
      %mul3A_61 = arith.muli %scan3A_56, %mul3A_60 : i32
      %add3A_62 = arith.addi %mul3A_59, %mul3A_61 : i32
      "tpu.region"() ({
        %run_scoped3A = tpu.sem_alloc : memref<!tpu.dma_semaphore, #tpu.memory_space<semaphore_mem>>
        %dma_start3A_64 = arith.constant 0 : i32
        %dma_start3A_65 = arith.constant 0 : i32
        %dma_start3A_66 = tpu.memref_slice %arg11[%dma_start3A_64, %dma_start3A_65] : memref<128x128xf32, #tpu.memory_space<vmem>> -> memref<128x128xf32, #tpu.memory_space<vmem>>
        %dma_start3A_67 = arith.constant 0 : i32
        %dma_start3A_68 = tpu.memref_slice %arg14[%add3A_62, %dma_start3A_67] : memref<10240x128xf32, #tpu.memory_space<vmem_shared>> -> memref<128x128xf32, #tpu.memory_space<vmem_shared>>
        %dma_start3A_69 = arith.constant 0 : i32
        %dma_start3A_70 = tpu.memref_slice %arg14[%add3A_62, %dma_start3A_69] : memref<10240x128xf32, #tpu.memory_space<vmem_shared>> -> memref<128x128xf32, #tpu.memory_space<vmem_shared>>
        %dma_start3A_71 = arith.constant 0 : i32
        %dma_start3A_72 = arith.constant 0 : i32
        %dma_start3A_73 = tpu.memref_slice %arg11[%dma_start3A_71, %dma_start3A_72] : memref<128x128xf32, #tpu.memory_space<vmem>> -> memref<128x128xf32, #tpu.memory_space<vmem>>
        tpu.enqueue_dma source(%dma_start3A_73 : memref<128x128xf32, #tpu.memory_space<vmem>>) target(%dma_start3A_70 : memref<128x128xf32, #tpu.memory_space<vmem_shared>>) target_semaphore(%run_scoped3A : memref<!tpu.dma_semaphore, #tpu.memory_space<semaphore_mem>>)
        %dma_wait3A_74 = arith.constant 0 : i32
        %dma_wait3A_75 = arith.constant 0 : i32
        %dma_wait3A_76 = tpu.memref_slice %arg11[%dma_wait3A_74, %dma_wait3A_75] : memref<128x128xf32, #tpu.memory_space<vmem>> -> memref<128x128xf32, #tpu.memory_space<vmem>>
        %dma_wait3A_77 = arith.constant 0 : i32
        %dma_wait3A_78 = tpu.memref_slice %arg14[%add3A_62, %dma_wait3A_77] : memref<10240x128xf32, #tpu.memory_space<vmem_shared>> -> memref<128x128xf32, #tpu.memory_space<vmem_shared>>
        %dma_wait3A_79 = arith.constant 0 : i32
        %dma_wait3A_80 = tpu.memref_slice %arg14[%add3A_62, %dma_wait3A_79] : memref<10240x128xf32, #tpu.memory_space<vmem_shared>> -> memref<128x128xf32, #tpu.memory_space<vmem_shared>>
        %dma_wait3A_81 = arith.constant 0 : i32
        %dma_wait3A_82 = arith.constant 0 : i32
        %dma_wait3A_83 = tpu.memref_slice %arg11[%dma_wait3A_81, %dma_wait3A_82] : memref<128x128xf32, #tpu.memory_space<vmem>> -> memref<128x128xf32, #tpu.memory_space<vmem>>
        tpu.wait_dma2 semaphore(%run_scoped3A : memref<!tpu.dma_semaphore, #tpu.memory_space<semaphore_mem>>) src(%dma_wait3A_83 : memref<128x128xf32, #tpu.memory_space<vmem>>) dst(%dma_wait3A_80 : memref<128x128xf32, #tpu.memory_space<vmem_shared>>)
        tpu.yield
      }) : () -> ()
      %scan3A_63 = arith.constant 0 : i32
      scf.yield %scan3A_63 : i32
    }
    %scan3A_21 = arith.constant 5 : i32
    %mul3A_22 = arith.constant 640 : i32
    %mul3A_23 = arith.muli %arg1, %mul3A_22 : i32
    "tpu.region"() ({
      %run_scoped3A = tpu.sem_alloc : memref<!tpu.dma_semaphore, #tpu.memory_space<semaphore_mem>>
      %dma_start3A_56 = tpu.memref_slice %arg15[%mul3A_23] : memref<10240xf32, #tpu.memory_space<vmem_shared>> -> memref<640xf32, #tpu.memory_space<vmem_shared>>
      %dma_start3A_57 = tpu.memref_slice %arg15[%mul3A_23] : memref<10240xf32, #tpu.memory_space<vmem_shared>> -> memref<640xf32, #tpu.memory_space<vmem_shared>>
      tpu.enqueue_dma source(%arg13 : memref<640xf32, #tpu.memory_space<vmem>>) target(%dma_start3A_57 : memref<640xf32, #tpu.memory_space<vmem_shared>>) target_semaphore(%run_scoped3A : memref<!tpu.dma_semaphore, #tpu.memory_space<semaphore_mem>>)
      %dma_wait3A_58 = tpu.memref_slice %arg15[%mul3A_23] : memref<10240xf32, #tpu.memory_space<vmem_shared>> -> memref<640xf32, #tpu.memory_space<vmem_shared>>
      %dma_wait3A_59 = tpu.memref_slice %arg15[%mul3A_23] : memref<10240xf32, #tpu.memory_space<vmem_shared>> -> memref<640xf32, #tpu.memory_space<vmem_shared>>
      tpu.wait_dma2 semaphore(%run_scoped3A : memref<!tpu.dma_semaphore, #tpu.memory_space<semaphore_mem>>) src(%arg13 : memref<640xf32, #tpu.memory_space<vmem>>) dst(%dma_wait3A_59 : memref<640xf32, #tpu.memory_space<vmem_shared>>)
      tpu.yield
    }) : () -> ()
    %barrier3A = arith.constant 0 : index
    tpu.barrier barrier_id(%barrier3A)
    %mul3A_24 = arith.constant 6400 : i32
    %mul3A_25 = arith.muli %add3A, %mul3A_24 : i32
    %add3A_26 = arith.constant 0 : i32
    %add3A_27 = arith.addi %mul3A_25, %add3A_26 : i32
    %dma_start3A = arith.constant 0 : i32
    %dma_start3A_28 = tpu.memref_slice %arg2[%add3A_27, %dma_start3A] : memref<204800x128xf32, #tpu.memory_space<hbm>> -> memref<128x128xf32, #tpu.memory_space<hbm>>
    %dma_start3A_29 = arith.constant 0 : i32
    %dma_start3A_30 = tpu.memref_slice %arg2[%add3A_27, %dma_start3A_29] : memref<204800x128xf32, #tpu.memory_space<hbm>> -> memref<128x128xf32, #tpu.memory_space<hbm>>
    tpu.enqueue_dma source(%dma_start3A_30 : memref<128x128xf32, #tpu.memory_space<hbm>>) target(%arg11 : memref<128x128xf32, #tpu.memory_space<vmem>>) target_semaphore(%arg16 : memref<!tpu.dma_semaphore, #tpu.memory_space<semaphore_mem>>)
    %dma_start3A_31 = tpu.memref_slice %arg4[%add3A_27] : memref<204800xi32, #tpu.memory_space<hbm>> -> memref<128xi32, #tpu.memory_space<hbm>>
    %dma_start3A_32 = tpu.memref_slice %arg4[%add3A_27] : memref<204800xi32, #tpu.memory_space<hbm>> -> memref<128xi32, #tpu.memory_space<hbm>>
    tpu.enqueue_dma source(%dma_start3A_32 : memref<128xi32, #tpu.memory_space<hbm>>) target(%arg7 : memref<128xi32, #tpu.memory_space<vmem>>) target_semaphore(%arg16 : memref<!tpu.dma_semaphore, #tpu.memory_space<semaphore_mem>>)
    %dma_start3A_33 = tpu.memref_slice %arg3[%add3A_27] : memref<204800xf32, #tpu.memory_space<hbm>> -> memref<128xf32, #tpu.memory_space<hbm>>
    %dma_start3A_34 = tpu.memref_slice %arg3[%add3A_27] : memref<204800xf32, #tpu.memory_space<hbm>> -> memref<128xf32, #tpu.memory_space<hbm>>
    tpu.enqueue_dma source(%dma_start3A_34 : memref<128xf32, #tpu.memory_space<hbm>>) target(%arg9 : memref<128xf32, #tpu.memory_space<vmem>>) target_semaphore(%arg16 : memref<!tpu.dma_semaphore, #tpu.memory_space<semaphore_mem>>)
    %scan3A_35 = arith.constant 0 : i32
    %scan3A_36 = arith.constant 0 : i32
    %scan3A_37 = arith.constant 25 : i32
    %scan3A_38 = arith.addi %scan3A_36, %scan3A_37 : i32
    %scan3A_39 = arith.constant 1 : i32
    %scan3A_40 = scf.for %scan3A_56 = %scan3A_36 to %scan3A_38 step %scan3A_39 iter_args(%scan3A_57 = %scan3A_35) -> (i32)  : i32 {
      %mul3A_58 = arith.constant 2 : i32
      %mul3A_59 = arith.muli %mul3A_58, %scan3A_56 : i32
      %mul3A_60 = arith.constant 6400 : i32
      %mul3A_61 = arith.muli %add3A, %mul3A_60 : i32
      %mul3A_62 = arith.constant 128 : i32
      %mul3A_63 = arith.muli %mul3A_59, %mul3A_62 : i32
      %add3A_64 = arith.addi %mul3A_61, %mul3A_63 : i32
      %dma_wait3A_65 = arith.constant 0 : i32
      %dma_wait3A_66 = tpu.memref_slice %arg2[%add3A_64, %dma_wait3A_65] : memref<204800x128xf32, #tpu.memory_space<hbm>> -> memref<128x128xf32, #tpu.memory_space<hbm>>
      %dma_wait3A_67 = arith.constant 0 : i32
      %dma_wait3A_68 = tpu.memref_slice %arg2[%add3A_64, %dma_wait3A_67] : memref<204800x128xf32, #tpu.memory_space<hbm>> -> memref<128x128xf32, #tpu.memory_space<hbm>>
      tpu.wait_dma2 semaphore(%arg16 : memref<!tpu.dma_semaphore, #tpu.memory_space<semaphore_mem>>) src(%dma_wait3A_68 : memref<128x128xf32, #tpu.memory_space<hbm>>) dst(%arg11 : memref<128x128xf32, #tpu.memory_space<vmem>>)
      %dma_wait3A_69 = tpu.memref_slice %arg4[%add3A_64] : memref<204800xi32, #tpu.memory_space<hbm>> -> memref<128xi32, #tpu.memory_space<hbm>>
      %dma_wait3A_70 = tpu.memref_slice %arg4[%add3A_64] : memref<204800xi32, #tpu.memory_space<hbm>> -> memref<128xi32, #tpu.memory_space<hbm>>
      tpu.wait_dma2 semaphore(%arg16 : memref<!tpu.dma_semaphore, #tpu.memory_space<semaphore_mem>>) src(%dma_wait3A_70 : memref<128xi32, #tpu.memory_space<hbm>>) dst(%arg7 : memref<128xi32, #tpu.memory_space<vmem>>)
      %dma_wait3A_71 = tpu.memref_slice %arg3[%add3A_64] : memref<204800xf32, #tpu.memory_space<hbm>> -> memref<128xf32, #tpu.memory_space<hbm>>
      %dma_wait3A_72 = tpu.memref_slice %arg3[%add3A_64] : memref<204800xf32, #tpu.memory_space<hbm>> -> memref<128xf32, #tpu.memory_space<hbm>>
      tpu.wait_dma2 semaphore(%arg16 : memref<!tpu.dma_semaphore, #tpu.memory_space<semaphore_mem>>) src(%dma_wait3A_72 : memref<128xf32, #tpu.memory_space<hbm>>) dst(%arg9 : memref<128xf32, #tpu.memory_space<vmem>>)
      %add3A_73 = arith.constant 1 : i32
      %add3A_74 = arith.addi %mul3A_59, %add3A_73 : i32
      %lt3A = arith.constant 50 : i32
      %lt3A_75 = arith.cmpi slt, %add3A_74, %lt3A : i32
      %convert_element_type3A = arith.extui %lt3A_75 : i1 to i32
      %cond3A = arith.constant 0 : i32
      %cond3A_76 = arith.cmpi ne, %convert_element_type3A, %cond3A : i32
      scf.if %cond3A_76 {
        %gt3A = arith.constant 0 : i32
        %gt3A_88 = arith.cmpi sgt, %mul3A_59, %gt3A : i32
        %convert_element_type3A_89 = arith.extui %gt3A_88 : i1 to i32
        %cond3A_90 = arith.constant 0 : i32
        %cond3A_91 = arith.cmpi ne, %convert_element_type3A_89, %cond3A_90 : i32
        scf.if %cond3A_91 {
          %dma_wait3A_107 = arith.constant 0 : i32
          %dma_wait3A_108 = arith.constant 0 : i32
          %dma_wait3A_109 = tpu.memref_slice %arg14[%dma_wait3A_107, %dma_wait3A_108] : memref<10240x128xf32, #tpu.memory_space<vmem_shared>> -> memref<10240x128xf32, #tpu.memory_space<vmem_shared>>
          tpu.wait_indirect_dma semaphore(%arg19 : memref<!tpu.dma_semaphore, #tpu.memory_space<semaphore_mem>>) src(%arg12 : memref<128x128xf32, #tpu.memory_space<vmem>>) dst(%dma_wait3A_109 : memref<10240x128xf32, #tpu.memory_space<vmem_shared>>)
        } else {
        }
        %add3A_92 = arith.constant 1 : i32
        %add3A_93 = arith.addi %mul3A_59, %add3A_92 : i32
        %mul3A_94 = arith.constant 6400 : i32
        %mul3A_95 = arith.muli %add3A, %mul3A_94 : i32
        %mul3A_96 = arith.constant 128 : i32
        %mul3A_97 = arith.muli %add3A_93, %mul3A_96 : i32
        %add3A_98 = arith.addi %mul3A_95, %mul3A_97 : i32
        %dma_start3A_99 = arith.constant 0 : i32
        %dma_start3A_100 = tpu.memref_slice %arg2[%add3A_98, %dma_start3A_99] : memref<204800x128xf32, #tpu.memory_space<hbm>> -> memref<128x128xf32, #tpu.memory_space<hbm>>
        %dma_start3A_101 = arith.constant 0 : i32
        %dma_start3A_102 = tpu.memref_slice %arg2[%add3A_98, %dma_start3A_101] : memref<204800x128xf32, #tpu.memory_space<hbm>> -> memref<128x128xf32, #tpu.memory_space<hbm>>
        tpu.enqueue_dma source(%dma_start3A_102 : memref<128x128xf32, #tpu.memory_space<hbm>>) target(%arg12 : memref<128x128xf32, #tpu.memory_space<vmem>>) target_semaphore(%arg17 : memref<!tpu.dma_semaphore, #tpu.memory_space<semaphore_mem>>)
        %dma_start3A_103 = tpu.memref_slice %arg4[%add3A_98] : memref<204800xi32, #tpu.memory_space<hbm>> -> memref<128xi32, #tpu.memory_space<hbm>>
        %dma_start3A_104 = tpu.memref_slice %arg4[%add3A_98] : memref<204800xi32, #tpu.memory_space<hbm>> -> memref<128xi32, #tpu.memory_space<hbm>>
        tpu.enqueue_dma source(%dma_start3A_104 : memref<128xi32, #tpu.memory_space<hbm>>) target(%arg8 : memref<128xi32, #tpu.memory_space<vmem>>) target_semaphore(%arg17 : memref<!tpu.dma_semaphore, #tpu.memory_space<semaphore_mem>>)
        %dma_start3A_105 = tpu.memref_slice %arg3[%add3A_98] : memref<204800xf32, #tpu.memory_space<hbm>> -> memref<128xf32, #tpu.memory_space<hbm>>
        %dma_start3A_106 = tpu.memref_slice %arg3[%add3A_98] : memref<204800xf32, #tpu.memory_space<hbm>> -> memref<128xf32, #tpu.memory_space<hbm>>
        tpu.enqueue_dma source(%dma_start3A_106 : memref<128xf32, #tpu.memory_space<hbm>>) target(%arg10 : memref<128xf32, #tpu.memory_space<vmem>>) target_semaphore(%arg17 : memref<!tpu.dma_semaphore, #tpu.memory_space<semaphore_mem>>)
      } else {
      }
      %dma_start3A_77 = arith.constant 0 : i32
      %dma_start3A_78 = arith.constant 0 : i32
      %dma_start3A_79 = tpu.memref_slice %arg14[%dma_start3A_77, %dma_start3A_78] : memref<10240x128xf32, #tpu.memory_space<vmem_shared>> -> memref<10240x128xf32, #tpu.memory_space<vmem_shared>>
      tpu.enqueue_indirect_dma source(%arg11 : memref<128x128xf32, #tpu.memory_space<vmem>>) target(%dma_start3A_79 : memref<10240x128xf32, #tpu.memory_space<vmem_shared>>) offsets(%arg7 : memref<128xi32, #tpu.memory_space<vmem>>) semaphore(%arg18 : memref<!tpu.dma_semaphore, #tpu.memory_space<semaphore_mem>>) {add = true}
      "tpu.region"() ({
        %run_scoped3A = tpu.sem_alloc : memref<!tpu.dma_semaphore, #tpu.memory_space<semaphore_mem>>
        %dma_start3A_88 = arith.constant 0 : i32
        %dma_start3A_89 = tpu.memref_slice %arg15[%dma_start3A_88] : memref<10240xf32, #tpu.memory_space<vmem_shared>> -> memref<10240xf32, #tpu.memory_space<vmem_shared>>
        tpu.enqueue_indirect_dma source(%arg9 : memref<128xf32, #tpu.memory_space<vmem>>) target(%dma_start3A_89 : memref<10240xf32, #tpu.memory_space<vmem_shared>>) offsets(%arg7 : memref<128xi32, #tpu.memory_space<vmem>>) semaphore(%run_scoped3A : memref<!tpu.dma_semaphore, #tpu.memory_space<semaphore_mem>>) {add = true}
        %dma_wait3A_90 = arith.constant 0 : i32
        %dma_wait3A_91 = tpu.memref_slice %arg15[%dma_wait3A_90] : memref<10240xf32, #tpu.memory_space<vmem_shared>> -> memref<10240xf32, #tpu.memory_space<vmem_shared>>
        tpu.wait_indirect_dma semaphore(%run_scoped3A : memref<!tpu.dma_semaphore, #tpu.memory_space<semaphore_mem>>) src(%arg9 : memref<128xf32, #tpu.memory_space<vmem>>) dst(%dma_wait3A_91 : memref<10240xf32, #tpu.memory_space<vmem_shared>>)
        tpu.yield
      }) : () -> ()
      %add3A_80 = arith.constant 1 : i32
      %add3A_81 = arith.addi %mul3A_59, %add3A_80 : i32
      %lt3A_82 = arith.constant 50 : i32
      %lt3A_83 = arith.cmpi slt, %add3A_81, %lt3A_82 : i32
      %convert_element_type3A_84 = arith.extui %lt3A_83 : i1 to i32
      %cond3A_85 = arith.constant 0 : i32
      %cond3A_86 = arith.cmpi ne, %convert_element_type3A_84, %cond3A_85 : i32
      scf.if %cond3A_86 {
        %add3A_88 = arith.constant 1 : i32
        %add3A_89 = arith.addi %mul3A_59, %add3A_88 : i32
        %mul3A_90 = arith.constant 6400 : i32
        %mul3A_91 = arith.muli %add3A, %mul3A_90 : i32
        %mul3A_92 = arith.constant 128 : i32
        %mul3A_93 = arith.muli %add3A_89, %mul3A_92 : i32
        %add3A_94 = arith.addi %mul3A_91, %mul3A_93 : i32
        %dma_wait3A_95 = arith.constant 0 : i32
        %dma_wait3A_96 = tpu.memref_slice %arg2[%add3A_94, %dma_wait3A_95] : memref<204800x128xf32, #tpu.memory_space<hbm>> -> memref<128x128xf32, #tpu.memory_space<hbm>>
        %dma_wait3A_97 = arith.constant 0 : i32
        %dma_wait3A_98 = tpu.memref_slice %arg2[%add3A_94, %dma_wait3A_97] : memref<204800x128xf32, #tpu.memory_space<hbm>> -> memref<128x128xf32, #tpu.memory_space<hbm>>
        tpu.wait_dma2 semaphore(%arg17 : memref<!tpu.dma_semaphore, #tpu.memory_space<semaphore_mem>>) src(%dma_wait3A_98 : memref<128x128xf32, #tpu.memory_space<hbm>>) dst(%arg12 : memref<128x128xf32, #tpu.memory_space<vmem>>)
        %dma_wait3A_99 = tpu.memref_slice %arg4[%add3A_94] : memref<204800xi32, #tpu.memory_space<hbm>> -> memref<128xi32, #tpu.memory_space<hbm>>
        %dma_wait3A_100 = tpu.memref_slice %arg4[%add3A_94] : memref<204800xi32, #tpu.memory_space<hbm>> -> memref<128xi32, #tpu.memory_space<hbm>>
        tpu.wait_dma2 semaphore(%arg17 : memref<!tpu.dma_semaphore, #tpu.memory_space<semaphore_mem>>) src(%dma_wait3A_100 : memref<128xi32, #tpu.memory_space<hbm>>) dst(%arg8 : memref<128xi32, #tpu.memory_space<vmem>>)
        %dma_wait3A_101 = tpu.memref_slice %arg3[%add3A_94] : memref<204800xf32, #tpu.memory_space<hbm>> -> memref<128xf32, #tpu.memory_space<hbm>>
        %dma_wait3A_102 = tpu.memref_slice %arg3[%add3A_94] : memref<204800xf32, #tpu.memory_space<hbm>> -> memref<128xf32, #tpu.memory_space<hbm>>
        tpu.wait_dma2 semaphore(%arg17 : memref<!tpu.dma_semaphore, #tpu.memory_space<semaphore_mem>>) src(%dma_wait3A_102 : memref<128xf32, #tpu.memory_space<hbm>>) dst(%arg10 : memref<128xf32, #tpu.memory_space<vmem>>)
        %add3A_103 = arith.constant 2 : i32
        %add3A_104 = arith.addi %mul3A_59, %add3A_103 : i32
        %lt3A_105 = arith.constant 50 : i32
        %lt3A_106 = arith.cmpi slt, %add3A_104, %lt3A_105 : i32
        %convert_element_type3A_107 = arith.extui %lt3A_106 : i1 to i32
        %cond3A_108 = arith.constant 0 : i32
        %cond3A_109 = arith.cmpi ne, %convert_element_type3A_107, %cond3A_108 : i32
        scf.if %cond3A_109 {
          %dma_wait3A_113 = arith.constant 0 : i32
          %dma_wait3A_114 = arith.constant 0 : i32
          %dma_wait3A_115 = tpu.memref_slice %arg14[%dma_wait3A_113, %dma_wait3A_114] : memref<10240x128xf32, #tpu.memory_space<vmem_shared>> -> memref<10240x128xf32, #tpu.memory_space<vmem_shared>>
          tpu.wait_indirect_dma semaphore(%arg18 : memref<!tpu.dma_semaphore, #tpu.memory_space<semaphore_mem>>) src(%arg11 : memref<128x128xf32, #tpu.memory_space<vmem>>) dst(%dma_wait3A_115 : memref<10240x128xf32, #tpu.memory_space<vmem_shared>>)
          %add3A_116 = arith.constant 2 : i32
          %add3A_117 = arith.addi %mul3A_59, %add3A_116 : i32
          %mul3A_118 = arith.constant 6400 : i32
          %mul3A_119 = arith.muli %add3A, %mul3A_118 : i32
          %mul3A_120 = arith.constant 128 : i32
          %mul3A_121 = arith.muli %add3A_117, %mul3A_120 : i32
          %add3A_122 = arith.addi %mul3A_119, %mul3A_121 : i32
          %dma_start3A_123 = arith.constant 0 : i32
          %dma_start3A_124 = tpu.memref_slice %arg2[%add3A_122, %dma_start3A_123] : memref<204800x128xf32, #tpu.memory_space<hbm>> -> memref<128x128xf32, #tpu.memory_space<hbm>>
          %dma_start3A_125 = arith.constant 0 : i32
          %dma_start3A_126 = tpu.memref_slice %arg2[%add3A_122, %dma_start3A_125] : memref<204800x128xf32, #tpu.memory_space<hbm>> -> memref<128x128xf32, #tpu.memory_space<hbm>>
          tpu.enqueue_dma source(%dma_start3A_126 : memref<128x128xf32, #tpu.memory_space<hbm>>) target(%arg11 : memref<128x128xf32, #tpu.memory_space<vmem>>) target_semaphore(%arg16 : memref<!tpu.dma_semaphore, #tpu.memory_space<semaphore_mem>>)
          %dma_start3A_127 = tpu.memref_slice %arg4[%add3A_122] : memref<204800xi32, #tpu.memory_space<hbm>> -> memref<128xi32, #tpu.memory_space<hbm>>
          %dma_start3A_128 = tpu.memref_slice %arg4[%add3A_122] : memref<204800xi32, #tpu.memory_space<hbm>> -> memref<128xi32, #tpu.memory_space<hbm>>
          tpu.enqueue_dma source(%dma_start3A_128 : memref<128xi32, #tpu.memory_space<hbm>>) target(%arg7 : memref<128xi32, #tpu.memory_space<vmem>>) target_semaphore(%arg16 : memref<!tpu.dma_semaphore, #tpu.memory_space<semaphore_mem>>)
          %dma_start3A_129 = tpu.memref_slice %arg3[%add3A_122] : memref<204800xf32, #tpu.memory_space<hbm>> -> memref<128xf32, #tpu.memory_space<hbm>>
          %dma_start3A_130 = tpu.memref_slice %arg3[%add3A_122] : memref<204800xf32, #tpu.memory_space<hbm>> -> memref<128xf32, #tpu.memory_space<hbm>>
          tpu.enqueue_dma source(%dma_start3A_130 : memref<128xf32, #tpu.memory_space<hbm>>) target(%arg9 : memref<128xf32, #tpu.memory_space<vmem>>) target_semaphore(%arg16 : memref<!tpu.dma_semaphore, #tpu.memory_space<semaphore_mem>>)
        } else {
        }
        %dma_start3A_110 = arith.constant 0 : i32
        %dma_start3A_111 = arith.constant 0 : i32
        %dma_start3A_112 = tpu.memref_slice %arg14[%dma_start3A_110, %dma_start3A_111] : memref<10240x128xf32, #tpu.memory_space<vmem_shared>> -> memref<10240x128xf32, #tpu.memory_space<vmem_shared>>
        tpu.enqueue_indirect_dma source(%arg12 : memref<128x128xf32, #tpu.memory_space<vmem>>) target(%dma_start3A_112 : memref<10240x128xf32, #tpu.memory_space<vmem_shared>>) offsets(%arg8 : memref<128xi32, #tpu.memory_space<vmem>>) semaphore(%arg19 : memref<!tpu.dma_semaphore, #tpu.memory_space<semaphore_mem>>) {add = true}
        "tpu.region"() ({
          %run_scoped3A = tpu.sem_alloc : memref<!tpu.dma_semaphore, #tpu.memory_space<semaphore_mem>>
          %dma_start3A_113 = arith.constant 0 : i32
          %dma_start3A_114 = tpu.memref_slice %arg15[%dma_start3A_113] : memref<10240xf32, #tpu.memory_space<vmem_shared>> -> memref<10240xf32, #tpu.memory_space<vmem_shared>>
          tpu.enqueue_indirect_dma source(%arg10 : memref<128xf32, #tpu.memory_space<vmem>>) target(%dma_start3A_114 : memref<10240xf32, #tpu.memory_space<vmem_shared>>) offsets(%arg8 : memref<128xi32, #tpu.memory_space<vmem>>) semaphore(%run_scoped3A : memref<!tpu.dma_semaphore, #tpu.memory_space<semaphore_mem>>) {add = true}
          %dma_wait3A_115 = arith.constant 0 : i32
          %dma_wait3A_116 = tpu.memref_slice %arg15[%dma_wait3A_115] : memref<10240xf32, #tpu.memory_space<vmem_shared>> -> memref<10240xf32, #tpu.memory_space<vmem_shared>>
          tpu.wait_indirect_dma semaphore(%run_scoped3A : memref<!tpu.dma_semaphore, #tpu.memory_space<semaphore_mem>>) src(%arg10 : memref<128xf32, #tpu.memory_space<vmem>>) dst(%dma_wait3A_116 : memref<10240xf32, #tpu.memory_space<vmem_shared>>)
          tpu.yield
        }) : () -> ()
      } else {
      }
      %scan3A_87 = arith.constant 0 : i32
      scf.yield %scan3A_87 : i32
    }
    %scan3A_41 = arith.constant 25 : i32
    %dma_wait3A = arith.constant 0 : i32
    %dma_wait3A_42 = arith.constant 0 : i32
    %dma_wait3A_43 = tpu.memref_slice %arg14[%dma_wait3A, %dma_wait3A_42] : memref<10240x128xf32, #tpu.memory_space<vmem_shared>> -> memref<10240x128xf32, #tpu.memory_space<vmem_shared>>
    tpu.wait_indirect_dma semaphore(%arg18 : memref<!tpu.dma_semaphore, #tpu.memory_space<semaphore_mem>>) src(%arg11 : memref<128x128xf32, #tpu.memory_space<vmem>>) dst(%dma_wait3A_43 : memref<10240x128xf32, #tpu.memory_space<vmem_shared>>)
    %dma_wait3A_44 = arith.constant 0 : i32
    %dma_wait3A_45 = arith.constant 0 : i32
    %dma_wait3A_46 = tpu.memref_slice %arg14[%dma_wait3A_44, %dma_wait3A_45] : memref<10240x128xf32, #tpu.memory_space<vmem_shared>> -> memref<10240x128xf32, #tpu.memory_space<vmem_shared>>
    tpu.wait_indirect_dma semaphore(%arg19 : memref<!tpu.dma_semaphore, #tpu.memory_space<semaphore_mem>>) src(%arg12 : memref<128x128xf32, #tpu.memory_space<vmem>>) dst(%dma_wait3A_46 : memref<10240x128xf32, #tpu.memory_space<vmem_shared>>)
    %barrier3A_47 = arith.constant 0 : index
    tpu.barrier barrier_id(%barrier3A_47)
    %mul3A_48 = arith.constant 640 : i32
    %mul3A_49 = arith.muli %arg1, %mul3A_48 : i32
    %mul3A_50 = arith.constant 640 : i32
    %mul3A_51 = arith.muli %arg1, %mul3A_50 : i32
    "tpu.region"() ({
      %run_scoped3A = tpu.sem_alloc : memref<!tpu.dma_semaphore, #tpu.memory_space<semaphore_mem>>
      %dma_start3A_56 = arith.constant 0 : i32
      %dma_start3A_57 = tpu.memref_slice %arg5[%arg0, %mul3A_51, %dma_start3A_56] : memref<2x10240x128xf32, #tpu.memory_space<hbm>> -> memref<1x640x128xf32, #tpu.memory_space<hbm>>
      %dma_start3A_58 = tpu.memref_squeeze %dma_start3A_57 : memref<1x640x128xf32, #tpu.memory_space<hbm>> -> memref<640x128xf32, #tpu.memory_space<hbm>>
      %dma_start3A_59 = arith.constant 0 : i32
      %dma_start3A_60 = tpu.memref_slice %arg14[%mul3A_49, %dma_start3A_59] : memref<10240x128xf32, #tpu.memory_space<vmem_shared>> -> memref<640x128xf32, #tpu.memory_space<vmem_shared>>
      tpu.enqueue_dma source(%dma_start3A_60 : memref<640x128xf32, #tpu.memory_space<vmem_shared>>) target(%dma_start3A_58 : memref<640x128xf32, #tpu.memory_space<hbm>>) target_semaphore(%run_scoped3A : memref<!tpu.dma_semaphore, #tpu.memory_space<semaphore_mem>>)
      %dma_wait3A_61 = arith.constant 0 : i32
      %dma_wait3A_62 = tpu.memref_slice %arg5[%arg0, %mul3A_51, %dma_wait3A_61] : memref<2x10240x128xf32, #tpu.memory_space<hbm>> -> memref<1x640x128xf32, #tpu.memory_space<hbm>>
      %dma_wait3A_63 = tpu.memref_squeeze %dma_wait3A_62 : memref<1x640x128xf32, #tpu.memory_space<hbm>> -> memref<640x128xf32, #tpu.memory_space<hbm>>
      %dma_wait3A_64 = arith.constant 0 : i32
      %dma_wait3A_65 = tpu.memref_slice %arg14[%mul3A_49, %dma_wait3A_64] : memref<10240x128xf32, #tpu.memory_space<vmem_shared>> -> memref<640x128xf32, #tpu.memory_space<vmem_shared>>
      tpu.wait_dma2 semaphore(%run_scoped3A : memref<!tpu.dma_semaphore, #tpu.memory_space<semaphore_mem>>) src(%dma_wait3A_65 : memref<640x128xf32, #tpu.memory_space<vmem_shared>>) dst(%dma_wait3A_63 : memref<640x128xf32, #tpu.memory_space<hbm>>)
      tpu.yield
    }) : () -> ()
    %mul3A_52 = arith.constant 640 : i32
    %mul3A_53 = arith.muli %arg1, %mul3A_52 : i32
    %mul3A_54 = arith.constant 640 : i32
    %mul3A_55 = arith.muli %arg1, %mul3A_54 : i32
    "tpu.region"() ({
      %run_scoped3A = tpu.sem_alloc : memref<!tpu.dma_semaphore, #tpu.memory_space<semaphore_mem>>
      %dma_start3A_56 = tpu.memref_slice %arg6[%arg0, %mul3A_55] : memref<2x10240xf32, #tpu.memory_space<hbm>> -> memref<1x640xf32, #tpu.memory_space<hbm>>
      %dma_start3A_57 = tpu.memref_squeeze %dma_start3A_56 : memref<1x640xf32, #tpu.memory_space<hbm>> -> memref<640xf32, #tpu.memory_space<hbm>>
      %dma_start3A_58 = tpu.memref_slice %arg15[%mul3A_53] : memref<10240xf32, #tpu.memory_space<vmem_shared>> -> memref<640xf32, #tpu.memory_space<vmem_shared>>
      tpu.enqueue_dma source(%dma_start3A_58 : memref<640xf32, #tpu.memory_space<vmem_shared>>) target(%dma_start3A_57 : memref<640xf32, #tpu.memory_space<hbm>>) target_semaphore(%run_scoped3A : memref<!tpu.dma_semaphore, #tpu.memory_space<semaphore_mem>>)
      %dma_wait3A_59 = tpu.memref_slice %arg6[%arg0, %mul3A_55] : memref<2x10240xf32, #tpu.memory_space<hbm>> -> memref<1x640xf32, #tpu.memory_space<hbm>>
      %dma_wait3A_60 = tpu.memref_squeeze %dma_wait3A_59 : memref<1x640xf32, #tpu.memory_space<hbm>> -> memref<640xf32, #tpu.memory_space<hbm>>
      %dma_wait3A_61 = tpu.memref_slice %arg15[%mul3A_53] : memref<10240xf32, #tpu.memory_space<vmem_shared>> -> memref<640xf32, #tpu.memory_space<vmem_shared>>
      tpu.wait_dma2 semaphore(%run_scoped3A : memref<!tpu.dma_semaphore, #tpu.memory_space<semaphore_mem>>) src(%dma_wait3A_61 : memref<640xf32, #tpu.memory_space<vmem_shared>>) dst(%dma_wait3A_60 : memref<640xf32, #tpu.memory_space<hbm>>)
      tpu.yield
    }) : () -> ()
    return
  }
}

module attributes {stable_mosaic.version = 14 : i64} {
  func.func @_edge_body(%arg0: i32, %arg1: memref<2560x16xf32, #tpu.memory_space<vmem>>, %arg2: memref<16x256xf32, #tpu.memory_space<vmem>>, %arg3: memref<1x256xf32, #tpu.memory_space<vmem>>, %arg4: memref<256x256xf32, #tpu.memory_space<vmem>>, %arg5: memref<1x256xf32, #tpu.memory_space<vmem>>, %arg6: memref<256x128xf32, #tpu.memory_space<vmem>>, %arg7: memref<1x128xf32, #tpu.memory_space<vmem>>, %arg8: memref<16x128xf32, #tpu.memory_space<vmem>>, %arg9: memref<1x128xf32, #tpu.memory_space<vmem>>, %arg10: memref<128x128xf32, #tpu.memory_space<vmem>>, %arg11: memref<1x128xf32, #tpu.memory_space<vmem>>, %arg12: memref<128x1xf32, #tpu.memory_space<vmem>>, %arg13: memref<1x1xf32, #tpu.memory_space<vmem>>, %arg14: memref<2560x128xf32, #tpu.memory_space<vmem>>, %arg15: memref<1x20x128xf32, #tpu.memory_space<vmem>>) attributes {dimension_semantics = [#tpu.dimension_semantics<arbitrary>], iteration_bounds = array<i64: 80>, scalar_prefetch = 0 : i64, scratch_operands = 0 : i64, tpu.core_type = #tpu.core_type<tc>, window_params = [{transform_indices = @transform_0, window_bounds = array<i64: 2560, 16>}, {pipeline_mode = #tpu.pipeline_mode<synchronous>, transform_indices = @transform_1, window_bounds = array<i64: 16, 256>}, {pipeline_mode = #tpu.pipeline_mode<synchronous>, transform_indices = @transform_2, window_bounds = array<i64: 1, 256>}, {pipeline_mode = #tpu.pipeline_mode<synchronous>, transform_indices = @transform_3, window_bounds = array<i64: 256, 256>}, {pipeline_mode = #tpu.pipeline_mode<synchronous>, transform_indices = @transform_4, window_bounds = array<i64: 1, 256>}, {pipeline_mode = #tpu.pipeline_mode<synchronous>, transform_indices = @transform_5, window_bounds = array<i64: 256, 128>}, {pipeline_mode = #tpu.pipeline_mode<synchronous>, transform_indices = @transform_6, window_bounds = array<i64: 1, 128>}, {pipeline_mode = #tpu.pipeline_mode<synchronous>, transform_indices = @transform_7, window_bounds = array<i64: 16, 128>}, {pipeline_mode = #tpu.pipeline_mode<synchronous>, transform_indices = @transform_8, window_bounds = array<i64: 1, 128>}, {pipeline_mode = #tpu.pipeline_mode<synchronous>, transform_indices = @transform_9, window_bounds = array<i64: 128, 128>}, {pipeline_mode = #tpu.pipeline_mode<synchronous>, transform_indices = @transform_10, window_bounds = array<i64: 1, 128>}, {pipeline_mode = #tpu.pipeline_mode<synchronous>, transform_indices = @transform_11, window_bounds = array<i64: 128, 1>}, {pipeline_mode = #tpu.pipeline_mode<synchronous>, transform_indices = @transform_12, window_bounds = array<i64: 1, 1>}, {transform_indices = @transform_13, window_bounds = array<i64: 2560, 128>}, {transform_indices = @transform_14, window_bounds = array<i64: 1, 20, 128>}]} {
    %get3A = arith.constant 0 : index
    %get3A_0 = arith.constant 0 : index
    %get3A_1 = vector.load %arg1[%get3A, %get3A_0] : memref<2560x16xf32, #tpu.memory_space<vmem>>, vector<2560x16xf32>
    %get3A_2 = arith.constant 0 : index
    %get3A_3 = arith.constant 0 : index
    %get3A_4 = vector.load %arg2[%get3A_2, %get3A_3] : memref<16x256xf32, #tpu.memory_space<vmem>>, vector<16x256xf32>
    %dot_general3A = arith.constant dense<0.000000e+00> : vector<2560x256xf32>
    %dot_general3A_5 = tpu.matmul %get3A_1, %get3A_4, %dot_general3A {dimension_numbers = #tpu.dot_dimension_numbers<[1], [0], [0], [1], [0, 0, 1, 1], [], []>, transpose_lhs_hint = false} : vector<2560x16xf32>, vector<16x256xf32>, vector<2560x256xf32> -> vector<2560x256xf32>
    %get3A_6 = arith.constant 0 : index
    %get3A_7 = arith.constant 0 : index
    %get3A_8 = vector.load %arg3[%get3A_6, %get3A_7] : memref<1x256xf32, #tpu.memory_space<vmem>>, vector<1x256xf32>
    %add3A = vector.broadcast %get3A_8 : vector<1x256xf32> to vector<2560x256xf32>
    %add3A_9 = arith.addf %dot_general3A_5, %add3A : vector<2560x256xf32>
    %max3A = arith.constant 0.000000e+00 : f32
    %max3A_10 = vector.broadcast %max3A : f32 to vector<2560x256xf32>
    %max3A_11 = arith.maximumf %add3A_9, %max3A_10 : vector<2560x256xf32>
    %get3A_12 = arith.constant 0 : index
    %get3A_13 = arith.constant 0 : index
    %get3A_14 = vector.load %arg4[%get3A_12, %get3A_13] : memref<256x256xf32, #tpu.memory_space<vmem>>, vector<256x256xf32>
    %dot_general3A_15 = arith.constant dense<0.000000e+00> : vector<2560x256xf32>
    %dot_general3A_16 = tpu.matmul %max3A_11, %get3A_14, %dot_general3A_15 {dimension_numbers = #tpu.dot_dimension_numbers<[1], [0], [0], [1], [0, 0, 1, 1], [], []>, transpose_lhs_hint = false} : vector<2560x256xf32>, vector<256x256xf32>, vector<2560x256xf32> -> vector<2560x256xf32>
    %get3A_17 = arith.constant 0 : index
    %get3A_18 = arith.constant 0 : index
    %get3A_19 = vector.load %arg5[%get3A_17, %get3A_18] : memref<1x256xf32, #tpu.memory_space<vmem>>, vector<1x256xf32>
    %add3A_20 = vector.broadcast %get3A_19 : vector<1x256xf32> to vector<2560x256xf32>
    %add3A_21 = arith.addf %dot_general3A_16, %add3A_20 : vector<2560x256xf32>
    %max3A_22 = arith.constant 0.000000e+00 : f32
    %max3A_23 = vector.broadcast %max3A_22 : f32 to vector<2560x256xf32>
    %max3A_24 = arith.maximumf %add3A_21, %max3A_23 : vector<2560x256xf32>
    %get3A_25 = arith.constant 0 : index
    %get3A_26 = arith.constant 0 : index
    %get3A_27 = vector.load %arg6[%get3A_25, %get3A_26] : memref<256x128xf32, #tpu.memory_space<vmem>>, vector<256x128xf32>
    %dot_general3A_28 = arith.constant dense<0.000000e+00> : vector<2560x128xf32>
    %dot_general3A_29 = tpu.matmul %max3A_24, %get3A_27, %dot_general3A_28 {dimension_numbers = #tpu.dot_dimension_numbers<[1], [0], [0], [1], [0, 0, 1, 1], [], []>, transpose_lhs_hint = false} : vector<2560x256xf32>, vector<256x128xf32>, vector<2560x128xf32> -> vector<2560x128xf32>
    %get3A_30 = arith.constant 0 : index
    %get3A_31 = arith.constant 0 : index
    %get3A_32 = vector.load %arg7[%get3A_30, %get3A_31] : memref<1x128xf32, #tpu.memory_space<vmem>>, vector<1x128xf32>
    %add3A_33 = vector.broadcast %get3A_32 : vector<1x128xf32> to vector<2560x128xf32>
    %add3A_34 = arith.addf %dot_general3A_29, %add3A_33 : vector<2560x128xf32>
    %get3A_35 = arith.constant 0 : index
    %get3A_36 = arith.constant 0 : index
    %get3A_37 = vector.load %arg8[%get3A_35, %get3A_36] : memref<16x128xf32, #tpu.memory_space<vmem>>, vector<16x128xf32>
    %dot_general3A_38 = arith.constant dense<0.000000e+00> : vector<2560x128xf32>
    %dot_general3A_39 = tpu.matmul %get3A_1, %get3A_37, %dot_general3A_38 {dimension_numbers = #tpu.dot_dimension_numbers<[1], [0], [0], [1], [0, 0, 1, 1], [], []>, transpose_lhs_hint = false} : vector<2560x16xf32>, vector<16x128xf32>, vector<2560x128xf32> -> vector<2560x128xf32>
    %get3A_40 = arith.constant 0 : index
    %get3A_41 = arith.constant 0 : index
    %get3A_42 = vector.load %arg9[%get3A_40, %get3A_41] : memref<1x128xf32, #tpu.memory_space<vmem>>, vector<1x128xf32>
    %add3A_43 = vector.broadcast %get3A_42 : vector<1x128xf32> to vector<2560x128xf32>
    %add3A_44 = arith.addf %dot_general3A_39, %add3A_43 : vector<2560x128xf32>
    %max3A_45 = arith.constant 0.000000e+00 : f32
    %max3A_46 = vector.broadcast %max3A_45 : f32 to vector<2560x128xf32>
    %max3A_47 = arith.maximumf %add3A_44, %max3A_46 : vector<2560x128xf32>
    %get3A_48 = arith.constant 0 : index
    %get3A_49 = arith.constant 0 : index
    %get3A_50 = vector.load %arg10[%get3A_48, %get3A_49] : memref<128x128xf32, #tpu.memory_space<vmem>>, vector<128x128xf32>
    %dot_general3A_51 = arith.constant dense<0.000000e+00> : vector<2560x128xf32>
    %dot_general3A_52 = tpu.matmul %max3A_47, %get3A_50, %dot_general3A_51 {dimension_numbers = #tpu.dot_dimension_numbers<[1], [0], [0], [1], [0, 0, 1, 1], [], []>, transpose_lhs_hint = false} : vector<2560x128xf32>, vector<128x128xf32>, vector<2560x128xf32> -> vector<2560x128xf32>
    %get3A_53 = arith.constant 0 : index
    %get3A_54 = arith.constant 0 : index
    %get3A_55 = vector.load %arg11[%get3A_53, %get3A_54] : memref<1x128xf32, #tpu.memory_space<vmem>>, vector<1x128xf32>
    %add3A_56 = vector.broadcast %get3A_55 : vector<1x128xf32> to vector<2560x128xf32>
    %add3A_57 = arith.addf %dot_general3A_52, %add3A_56 : vector<2560x128xf32>
    %max3A_58 = arith.constant 0.000000e+00 : f32
    %max3A_59 = vector.broadcast %max3A_58 : f32 to vector<2560x128xf32>
    %max3A_60 = arith.maximumf %add3A_57, %max3A_59 : vector<2560x128xf32>
    %get3A_61 = arith.constant 0 : index
    %get3A_62 = arith.constant 0 : index
    %get3A_63 = vector.load %arg12[%get3A_61, %get3A_62] : memref<128x1xf32, #tpu.memory_space<vmem>>, vector<128x1xf32>
    %dot_general3A_64 = arith.constant dense<0.000000e+00> : vector<2560x1xf32>
    %dot_general3A_65 = tpu.matmul %max3A_60, %get3A_63, %dot_general3A_64 {dimension_numbers = #tpu.dot_dimension_numbers<[1], [0], [0], [1], [0, 0, 1, 1], [], []>, transpose_lhs_hint = false} : vector<2560x128xf32>, vector<128x1xf32>, vector<2560x1xf32> -> vector<2560x1xf32>
    %get3A_66 = arith.constant 0 : index
    %get3A_67 = arith.constant 0 : index
    %get3A_68 = vector.load %arg13[%get3A_66, %get3A_67] : memref<1x1xf32, #tpu.memory_space<vmem>>, vector<1x1xf32>
    %get3A_69 = vector.extract %get3A_68[0, 0] : f32 from vector<1x1xf32>
    %add3A_70 = vector.broadcast %get3A_69 : f32 to vector<2560x1xf32>
    %add3A_71 = arith.addf %dot_general3A_65, %add3A_70 : vector<2560x1xf32>
    %exp3A = math.exp %add3A_71 : vector<2560x1xf32>
    %mul3A = vector.broadcast %exp3A : vector<2560x1xf32> to vector<2560x128xf32>
    %mul3A_72 = arith.mulf %add3A_34, %mul3A : vector<2560x128xf32>
    %swap3A = arith.constant 0 : index
    %swap3A_73 = arith.constant 0 : index
    %swap3A_74 = vector.load %arg14[%swap3A, %swap3A_73] : memref<2560x128xf32, #tpu.memory_space<vmem>>, vector<2560x128xf32>
    tpu.vector_store %arg14[%swap3A, %swap3A_73], %mul3A_72 {strides = array<i32>} : memref<2560x128xf32, #tpu.memory_space<vmem>>, vector<2560x128xf32>,
    %reshape3A = vector.shape_cast %exp3A : vector<2560x1xf32> to vector<1x20x128xf32>
    %swap3A_75 = arith.constant 0 : index
    %swap3A_76 = arith.constant 0 : index
    %swap3A_77 = arith.constant 0 : index
    %swap3A_78 = vector.load %arg15[%swap3A_75, %swap3A_76, %swap3A_77] : memref<1x20x128xf32, #tpu.memory_space<vmem>>, vector<1x20x128xf32>
    tpu.vector_store %arg15[%swap3A_75, %swap3A_76, %swap3A_77], %reshape3A {strides = array<i32>} : memref<1x20x128xf32, #tpu.memory_space<vmem>>, vector<1x20x128xf32>,
    return
  }
  func.func @transform_0(%arg0: i32) -> (i32, i32) {
    %c0_i32 = arith.constant 0 : i32
    %c0_i32_0 = arith.constant 0 : i32
    return %arg0, %c0_i32 : i32, i32
  }
  func.func @transform_1(%arg0: i32) -> (i32, i32) {
    %c0_i32 = arith.constant 0 : i32
    %c0_i32_0 = arith.constant 0 : i32
    %c0_i32_1 = arith.constant 0 : i32
    return %c0_i32, %c0_i32_0 : i32, i32
  }
  func.func @transform_2(%arg0: i32) -> (i32, i32) {
    %c0_i32 = arith.constant 0 : i32
    %c0_i32_0 = arith.constant 0 : i32
    %c0_i32_1 = arith.constant 0 : i32
    return %c0_i32, %c0_i32_0 : i32, i32
  }
  func.func @transform_3(%arg0: i32) -> (i32, i32) {
    %c0_i32 = arith.constant 0 : i32
    %c0_i32_0 = arith.constant 0 : i32
    %c0_i32_1 = arith.constant 0 : i32
    return %c0_i32, %c0_i32_0 : i32, i32
  }
  func.func @transform_4(%arg0: i32) -> (i32, i32) {
    %c0_i32 = arith.constant 0 : i32
    %c0_i32_0 = arith.constant 0 : i32
    %c0_i32_1 = arith.constant 0 : i32
    return %c0_i32, %c0_i32_0 : i32, i32
  }
  func.func @transform_5(%arg0: i32) -> (i32, i32) {
    %c0_i32 = arith.constant 0 : i32
    %c0_i32_0 = arith.constant 0 : i32
    %c0_i32_1 = arith.constant 0 : i32
    return %c0_i32, %c0_i32_0 : i32, i32
  }
  func.func @transform_6(%arg0: i32) -> (i32, i32) {
    %c0_i32 = arith.constant 0 : i32
    %c0_i32_0 = arith.constant 0 : i32
    %c0_i32_1 = arith.constant 0 : i32
    return %c0_i32, %c0_i32_0 : i32, i32
  }
  func.func @transform_7(%arg0: i32) -> (i32, i32) {
    %c0_i32 = arith.constant 0 : i32
    %c0_i32_0 = arith.constant 0 : i32
    %c0_i32_1 = arith.constant 0 : i32
    return %c0_i32, %c0_i32_0 : i32, i32
  }
  func.func @transform_8(%arg0: i32) -> (i32, i32) {
    %c0_i32 = arith.constant 0 : i32
    %c0_i32_0 = arith.constant 0 : i32
    %c0_i32_1 = arith.constant 0 : i32
    return %c0_i32, %c0_i32_0 : i32, i32
  }
  func.func @transform_9(%arg0: i32) -> (i32, i32) {
    %c0_i32 = arith.constant 0 : i32
    %c0_i32_0 = arith.constant 0 : i32
    %c0_i32_1 = arith.constant 0 : i32
    return %c0_i32, %c0_i32_0 : i32, i32
  }
  func.func @transform_10(%arg0: i32) -> (i32, i32) {
    %c0_i32 = arith.constant 0 : i32
    %c0_i32_0 = arith.constant 0 : i32
    %c0_i32_1 = arith.constant 0 : i32
    return %c0_i32, %c0_i32_0 : i32, i32
  }
  func.func @transform_11(%arg0: i32) -> (i32, i32) {
    %c0_i32 = arith.constant 0 : i32
    %c0_i32_0 = arith.constant 0 : i32
    %c0_i32_1 = arith.constant 0 : i32
    return %c0_i32, %c0_i32_0 : i32, i32
  }
  func.func @transform_12(%arg0: i32) -> (i32, i32) {
    %c0_i32 = arith.constant 0 : i32
    %c0_i32_0 = arith.constant 0 : i32
    %c0_i32_1 = arith.constant 0 : i32
    return %c0_i32, %c0_i32_0 : i32, i32
  }
  func.func @transform_13(%arg0: i32) -> (i32, i32) {
    %c0_i32 = arith.constant 0 : i32
    %c0_i32_0 = arith.constant 0 : i32
    return %arg0, %c0_i32 : i32, i32
  }
  func.func @transform_14(%arg0: i32) -> (i32, i32, i32) {
    %c0_i32 = arith.constant 0 : i32
    %c0_i32_0 = arith.constant 0 : i32
    %c0_i32_1 = arith.constant 0 : i32
    return %arg0, %c0_i32, %c0_i32_0 : i32, i32, i32
  }
}

module attributes {stable_mosaic.version = 14 : i64} {
  func.func @_edge_body(%arg0: i32, %arg1: memref<2560x16xf32, #tpu.memory_space<vmem>>, %arg2: memref<16x256xf32, #tpu.memory_space<vmem>>, %arg3: memref<1x256xf32, #tpu.memory_space<vmem>>, %arg4: memref<256x256xf32, #tpu.memory_space<vmem>>, %arg5: memref<1x256xf32, #tpu.memory_space<vmem>>, %arg6: memref<256x128xf32, #tpu.memory_space<vmem>>, %arg7: memref<1x128xf32, #tpu.memory_space<vmem>>, %arg8: memref<16x128xf32, #tpu.memory_space<vmem>>, %arg9: memref<1x128xf32, #tpu.memory_space<vmem>>, %arg10: memref<128x128xf32, #tpu.memory_space<vmem>>, %arg11: memref<1x128xf32, #tpu.memory_space<vmem>>, %arg12: memref<128x1xf32, #tpu.memory_space<vmem>>, %arg13: memref<1x1xf32, #tpu.memory_space<vmem>>, %arg14: memref<2560x128xf32, #tpu.memory_space<vmem>>, %arg15: memref<1x20x128xf32, #tpu.memory_space<vmem>>) attributes {dimension_semantics = [#tpu.dimension_semantics<arbitrary>], iteration_bounds = array<i64: 45>, scalar_prefetch = 0 : i64, scratch_operands = 0 : i64, tpu.core_type = #tpu.core_type<tc>, window_params = [{transform_indices = @transform_0, window_bounds = array<i64: 2560, 16>}, {pipeline_mode = #tpu.pipeline_mode<synchronous>, transform_indices = @transform_1, window_bounds = array<i64: 16, 256>}, {pipeline_mode = #tpu.pipeline_mode<synchronous>, transform_indices = @transform_2, window_bounds = array<i64: 1, 256>}, {pipeline_mode = #tpu.pipeline_mode<synchronous>, transform_indices = @transform_3, window_bounds = array<i64: 256, 256>}, {pipeline_mode = #tpu.pipeline_mode<synchronous>, transform_indices = @transform_4, window_bounds = array<i64: 1, 256>}, {pipeline_mode = #tpu.pipeline_mode<synchronous>, transform_indices = @transform_5, window_bounds = array<i64: 256, 128>}, {pipeline_mode = #tpu.pipeline_mode<synchronous>, transform_indices = @transform_6, window_bounds = array<i64: 1, 128>}, {pipeline_mode = #tpu.pipeline_mode<synchronous>, transform_indices = @transform_7, window_bounds = array<i64: 16, 128>}, {pipeline_mode = #tpu.pipeline_mode<synchronous>, transform_indices = @transform_8, window_bounds = array<i64: 1, 128>}, {pipeline_mode = #tpu.pipeline_mode<synchronous>, transform_indices = @transform_9, window_bounds = array<i64: 128, 128>}, {pipeline_mode = #tpu.pipeline_mode<synchronous>, transform_indices = @transform_10, window_bounds = array<i64: 1, 128>}, {pipeline_mode = #tpu.pipeline_mode<synchronous>, transform_indices = @transform_11, window_bounds = array<i64: 128, 1>}, {pipeline_mode = #tpu.pipeline_mode<synchronous>, transform_indices = @transform_12, window_bounds = array<i64: 1, 1>}, {transform_indices = @transform_13, window_bounds = array<i64: 2560, 128>}, {transform_indices = @transform_14, window_bounds = array<i64: 1, 20, 128>}]} {
    %get3A = arith.constant 0 : index
    %get3A_0 = arith.constant 0 : index
    %get3A_1 = vector.load %arg1[%get3A, %get3A_0] : memref<2560x16xf32, #tpu.memory_space<vmem>>, vector<2560x16xf32>
    %get3A_2 = arith.constant 0 : index
    %get3A_3 = arith.constant 0 : index
    %get3A_4 = vector.load %arg2[%get3A_2, %get3A_3] : memref<16x256xf32, #tpu.memory_space<vmem>>, vector<16x256xf32>
    %dot_general3A = arith.constant dense<0.000000e+00> : vector<2560x256xf32>
    %dot_general3A_5 = tpu.matmul %get3A_1, %get3A_4, %dot_general3A {dimension_numbers = #tpu.dot_dimension_numbers<[1], [0], [0], [1], [0, 0, 1, 1], [], []>, transpose_lhs_hint = false} : vector<2560x16xf32>, vector<16x256xf32>, vector<2560x256xf32> -> vector<2560x256xf32>
    %get3A_6 = arith.constant 0 : index
    %get3A_7 = arith.constant 0 : index
    %get3A_8 = vector.load %arg3[%get3A_6, %get3A_7] : memref<1x256xf32, #tpu.memory_space<vmem>>, vector<1x256xf32>
    %add3A = vector.broadcast %get3A_8 : vector<1x256xf32> to vector<2560x256xf32>
    %add3A_9 = arith.addf %dot_general3A_5, %add3A : vector<2560x256xf32>
    %max3A = arith.constant 0.000000e+00 : f32
    %max3A_10 = vector.broadcast %max3A : f32 to vector<2560x256xf32>
    %max3A_11 = arith.maximumf %add3A_9, %max3A_10 : vector<2560x256xf32>
    %get3A_12 = arith.constant 0 : index
    %get3A_13 = arith.constant 0 : index
    %get3A_14 = vector.load %arg4[%get3A_12, %get3A_13] : memref<256x256xf32, #tpu.memory_space<vmem>>, vector<256x256xf32>
    %dot_general3A_15 = arith.constant dense<0.000000e+00> : vector<2560x256xf32>
    %dot_general3A_16 = tpu.matmul %max3A_11, %get3A_14, %dot_general3A_15 {dimension_numbers = #tpu.dot_dimension_numbers<[1], [0], [0], [1], [0, 0, 1, 1], [], []>, transpose_lhs_hint = false} : vector<2560x256xf32>, vector<256x256xf32>, vector<2560x256xf32> -> vector<2560x256xf32>
    %get3A_17 = arith.constant 0 : index
    %get3A_18 = arith.constant 0 : index
    %get3A_19 = vector.load %arg5[%get3A_17, %get3A_18] : memref<1x256xf32, #tpu.memory_space<vmem>>, vector<1x256xf32>
    %add3A_20 = vector.broadcast %get3A_19 : vector<1x256xf32> to vector<2560x256xf32>
    %add3A_21 = arith.addf %dot_general3A_16, %add3A_20 : vector<2560x256xf32>
    %max3A_22 = arith.constant 0.000000e+00 : f32
    %max3A_23 = vector.broadcast %max3A_22 : f32 to vector<2560x256xf32>
    %max3A_24 = arith.maximumf %add3A_21, %max3A_23 : vector<2560x256xf32>
    %get3A_25 = arith.constant 0 : index
    %get3A_26 = arith.constant 0 : index
    %get3A_27 = vector.load %arg6[%get3A_25, %get3A_26] : memref<256x128xf32, #tpu.memory_space<vmem>>, vector<256x128xf32>
    %dot_general3A_28 = arith.constant dense<0.000000e+00> : vector<2560x128xf32>
    %dot_general3A_29 = tpu.matmul %max3A_24, %get3A_27, %dot_general3A_28 {dimension_numbers = #tpu.dot_dimension_numbers<[1], [0], [0], [1], [0, 0, 1, 1], [], []>, transpose_lhs_hint = false} : vector<2560x256xf32>, vector<256x128xf32>, vector<2560x128xf32> -> vector<2560x128xf32>
    %get3A_30 = arith.constant 0 : index
    %get3A_31 = arith.constant 0 : index
    %get3A_32 = vector.load %arg7[%get3A_30, %get3A_31] : memref<1x128xf32, #tpu.memory_space<vmem>>, vector<1x128xf32>
    %add3A_33 = vector.broadcast %get3A_32 : vector<1x128xf32> to vector<2560x128xf32>
    %add3A_34 = arith.addf %dot_general3A_29, %add3A_33 : vector<2560x128xf32>
    %get3A_35 = arith.constant 0 : index
    %get3A_36 = arith.constant 0 : index
    %get3A_37 = vector.load %arg8[%get3A_35, %get3A_36] : memref<16x128xf32, #tpu.memory_space<vmem>>, vector<16x128xf32>
    %dot_general3A_38 = arith.constant dense<0.000000e+00> : vector<2560x128xf32>
    %dot_general3A_39 = tpu.matmul %get3A_1, %get3A_37, %dot_general3A_38 {dimension_numbers = #tpu.dot_dimension_numbers<[1], [0], [0], [1], [0, 0, 1, 1], [], []>, transpose_lhs_hint = false} : vector<2560x16xf32>, vector<16x128xf32>, vector<2560x128xf32> -> vector<2560x128xf32>
    %get3A_40 = arith.constant 0 : index
    %get3A_41 = arith.constant 0 : index
    %get3A_42 = vector.load %arg9[%get3A_40, %get3A_41] : memref<1x128xf32, #tpu.memory_space<vmem>>, vector<1x128xf32>
    %add3A_43 = vector.broadcast %get3A_42 : vector<1x128xf32> to vector<2560x128xf32>
    %add3A_44 = arith.addf %dot_general3A_39, %add3A_43 : vector<2560x128xf32>
    %max3A_45 = arith.constant 0.000000e+00 : f32
    %max3A_46 = vector.broadcast %max3A_45 : f32 to vector<2560x128xf32>
    %max3A_47 = arith.maximumf %add3A_44, %max3A_46 : vector<2560x128xf32>
    %get3A_48 = arith.constant 0 : index
    %get3A_49 = arith.constant 0 : index
    %get3A_50 = vector.load %arg10[%get3A_48, %get3A_49] : memref<128x128xf32, #tpu.memory_space<vmem>>, vector<128x128xf32>
    %dot_general3A_51 = arith.constant dense<0.000000e+00> : vector<2560x128xf32>
    %dot_general3A_52 = tpu.matmul %max3A_47, %get3A_50, %dot_general3A_51 {dimension_numbers = #tpu.dot_dimension_numbers<[1], [0], [0], [1], [0, 0, 1, 1], [], []>, transpose_lhs_hint = false} : vector<2560x128xf32>, vector<128x128xf32>, vector<2560x128xf32> -> vector<2560x128xf32>
    %get3A_53 = arith.constant 0 : index
    %get3A_54 = arith.constant 0 : index
    %get3A_55 = vector.load %arg11[%get3A_53, %get3A_54] : memref<1x128xf32, #tpu.memory_space<vmem>>, vector<1x128xf32>
    %add3A_56 = vector.broadcast %get3A_55 : vector<1x128xf32> to vector<2560x128xf32>
    %add3A_57 = arith.addf %dot_general3A_52, %add3A_56 : vector<2560x128xf32>
    %max3A_58 = arith.constant 0.000000e+00 : f32
    %max3A_59 = vector.broadcast %max3A_58 : f32 to vector<2560x128xf32>
    %max3A_60 = arith.maximumf %add3A_57, %max3A_59 : vector<2560x128xf32>
    %get3A_61 = arith.constant 0 : index
    %get3A_62 = arith.constant 0 : index
    %get3A_63 = vector.load %arg12[%get3A_61, %get3A_62] : memref<128x1xf32, #tpu.memory_space<vmem>>, vector<128x1xf32>
    %dot_general3A_64 = arith.constant dense<0.000000e+00> : vector<2560x1xf32>
    %dot_general3A_65 = tpu.matmul %max3A_60, %get3A_63, %dot_general3A_64 {dimension_numbers = #tpu.dot_dimension_numbers<[1], [0], [0], [1], [0, 0, 1, 1], [], []>, transpose_lhs_hint = false} : vector<2560x128xf32>, vector<128x1xf32>, vector<2560x1xf32> -> vector<2560x1xf32>
    %get3A_66 = arith.constant 0 : index
    %get3A_67 = arith.constant 0 : index
    %get3A_68 = vector.load %arg13[%get3A_66, %get3A_67] : memref<1x1xf32, #tpu.memory_space<vmem>>, vector<1x1xf32>
    %get3A_69 = vector.extract %get3A_68[0, 0] : f32 from vector<1x1xf32>
    %add3A_70 = vector.broadcast %get3A_69 : f32 to vector<2560x1xf32>
    %add3A_71 = arith.addf %dot_general3A_65, %add3A_70 : vector<2560x1xf32>
    %exp3A = math.exp %add3A_71 : vector<2560x1xf32>
    %mul3A = vector.broadcast %exp3A : vector<2560x1xf32> to vector<2560x128xf32>
    %mul3A_72 = arith.mulf %add3A_34, %mul3A : vector<2560x128xf32>
    %swap3A = arith.constant 0 : index
    %swap3A_73 = arith.constant 0 : index
    %swap3A_74 = vector.load %arg14[%swap3A, %swap3A_73] : memref<2560x128xf32, #tpu.memory_space<vmem>>, vector<2560x128xf32>
    tpu.vector_store %arg14[%swap3A, %swap3A_73], %mul3A_72 {strides = array<i32>} : memref<2560x128xf32, #tpu.memory_space<vmem>>, vector<2560x128xf32>,
    %reshape3A = vector.shape_cast %exp3A : vector<2560x1xf32> to vector<1x20x128xf32>
    %swap3A_75 = arith.constant 0 : index
    %swap3A_76 = arith.constant 0 : index
    %swap3A_77 = arith.constant 0 : index
    %swap3A_78 = vector.load %arg15[%swap3A_75, %swap3A_76, %swap3A_77] : memref<1x20x128xf32, #tpu.memory_space<vmem>>, vector<1x20x128xf32>
    tpu.vector_store %arg15[%swap3A_75, %swap3A_76, %swap3A_77], %reshape3A {strides = array<i32>} : memref<1x20x128xf32, #tpu.memory_space<vmem>>, vector<1x20x128xf32>,
    return
  }
  func.func @transform_0(%arg0: i32) -> (i32, i32) {
    %c0_i32 = arith.constant 0 : i32
    %c0_i32_0 = arith.constant 0 : i32
    return %arg0, %c0_i32 : i32, i32
  }
  func.func @transform_1(%arg0: i32) -> (i32, i32) {
    %c0_i32 = arith.constant 0 : i32
    %c0_i32_0 = arith.constant 0 : i32
    %c0_i32_1 = arith.constant 0 : i32
    return %c0_i32, %c0_i32_0 : i32, i32
  }
  func.func @transform_2(%arg0: i32) -> (i32, i32) {
    %c0_i32 = arith.constant 0 : i32
    %c0_i32_0 = arith.constant 0 : i32
    %c0_i32_1 = arith.constant 0 : i32
    return %c0_i32, %c0_i32_0 : i32, i32
  }
  func.func @transform_3(%arg0: i32) -> (i32, i32) {
    %c0_i32 = arith.constant 0 : i32
    %c0_i32_0 = arith.constant 0 : i32
    %c0_i32_1 = arith.constant 0 : i32
    return %c0_i32, %c0_i32_0 : i32, i32
  }
  func.func @transform_4(%arg0: i32) -> (i32, i32) {
    %c0_i32 = arith.constant 0 : i32
    %c0_i32_0 = arith.constant 0 : i32
    %c0_i32_1 = arith.constant 0 : i32
    return %c0_i32, %c0_i32_0 : i32, i32
  }
  func.func @transform_5(%arg0: i32) -> (i32, i32) {
    %c0_i32 = arith.constant 0 : i32
    %c0_i32_0 = arith.constant 0 : i32
    %c0_i32_1 = arith.constant 0 : i32
    return %c0_i32, %c0_i32_0 : i32, i32
  }
  func.func @transform_6(%arg0: i32) -> (i32, i32) {
    %c0_i32 = arith.constant 0 : i32
    %c0_i32_0 = arith.constant 0 : i32
    %c0_i32_1 = arith.constant 0 : i32
    return %c0_i32, %c0_i32_0 : i32, i32
  }
  func.func @transform_7(%arg0: i32) -> (i32, i32) {
    %c0_i32 = arith.constant 0 : i32
    %c0_i32_0 = arith.constant 0 : i32
    %c0_i32_1 = arith.constant 0 : i32
    return %c0_i32, %c0_i32_0 : i32, i32
  }
  func.func @transform_8(%arg0: i32) -> (i32, i32) {
    %c0_i32 = arith.constant 0 : i32
    %c0_i32_0 = arith.constant 0 : i32
    %c0_i32_1 = arith.constant 0 : i32
    return %c0_i32, %c0_i32_0 : i32, i32
  }
  func.func @transform_9(%arg0: i32) -> (i32, i32) {
    %c0_i32 = arith.constant 0 : i32
    %c0_i32_0 = arith.constant 0 : i32
    %c0_i32_1 = arith.constant 0 : i32
    return %c0_i32, %c0_i32_0 : i32, i32
  }
  func.func @transform_10(%arg0: i32) -> (i32, i32) {
    %c0_i32 = arith.constant 0 : i32
    %c0_i32_0 = arith.constant 0 : i32
    %c0_i32_1 = arith.constant 0 : i32
    return %c0_i32, %c0_i32_0 : i32, i32
  }
  func.func @transform_11(%arg0: i32) -> (i32, i32) {
    %c0_i32 = arith.constant 0 : i32
    %c0_i32_0 = arith.constant 0 : i32
    %c0_i32_1 = arith.constant 0 : i32
    return %c0_i32, %c0_i32_0 : i32, i32
  }
  func.func @transform_12(%arg0: i32) -> (i32, i32) {
    %c0_i32 = arith.constant 0 : i32
    %c0_i32_0 = arith.constant 0 : i32
    %c0_i32_1 = arith.constant 0 : i32
    return %c0_i32, %c0_i32_0 : i32, i32
  }
  func.func @transform_13(%arg0: i32) -> (i32, i32) {
    %c0_i32 = arith.constant 0 : i32
    %c0_i32_0 = arith.constant 0 : i32
    return %arg0, %c0_i32 : i32, i32
  }
  func.func @transform_14(%arg0: i32) -> (i32, i32, i32) {
    %c0_i32 = arith.constant 0 : i32
    %c0_i32_0 = arith.constant 0 : i32
    %c0_i32_1 = arith.constant 0 : i32
    return %arg0, %c0_i32, %c0_i32_0 : i32, i32, i32
  }
}

module attributes {stable_mosaic.version = 14 : i64} {
  func.func @_upd_body(%arg0: i32, %arg1: memref<2x2048x128xf32, #tpu.memory_space<vmem>>, %arg2: memref<2x2048x128xf32, #tpu.memory_space<vmem>>, %arg3: memref<2x2048x1xf32, #tpu.memory_space<vmem>>, %arg4: memref<2x2048x1xf32, #tpu.memory_space<vmem>>, %arg5: memref<128x256xf32, #tpu.memory_space<vmem>>, %arg6: memref<1x256xf32, #tpu.memory_space<vmem>>, %arg7: memref<256x256xf32, #tpu.memory_space<vmem>>, %arg8: memref<1x256xf32, #tpu.memory_space<vmem>>, %arg9: memref<256x2xf32, #tpu.memory_space<vmem>>, %arg10: memref<1x2xf32, #tpu.memory_space<vmem>>, %arg11: memref<2048x2xf32, #tpu.memory_space<vmem>>) attributes {dimension_semantics = [#tpu.dimension_semantics<arbitrary>], iteration_bounds = array<i64: 5>, scalar_prefetch = 0 : i64, scratch_operands = 0 : i64, tpu.core_type = #tpu.core_type<tc>, window_params = [{transform_indices = @transform_0, window_bounds = array<i64: 2, 2048, 128>}, {transform_indices = @transform_1, window_bounds = array<i64: 2, 2048, 128>}, {transform_indices = @transform_2, window_bounds = array<i64: 2, 2048, 1>}, {transform_indices = @transform_3, window_bounds = array<i64: 2, 2048, 1>}, {pipeline_mode = #tpu.pipeline_mode<synchronous>, transform_indices = @transform_4, window_bounds = array<i64: 128, 256>}, {pipeline_mode = #tpu.pipeline_mode<synchronous>, transform_indices = @transform_5, window_bounds = array<i64: 1, 256>}, {pipeline_mode = #tpu.pipeline_mode<synchronous>, transform_indices = @transform_6, window_bounds = array<i64: 256, 256>}, {pipeline_mode = #tpu.pipeline_mode<synchronous>, transform_indices = @transform_7, window_bounds = array<i64: 1, 256>}, {pipeline_mode = #tpu.pipeline_mode<synchronous>, transform_indices = @transform_8, window_bounds = array<i64: 256, 2>}, {pipeline_mode = #tpu.pipeline_mode<synchronous>, transform_indices = @transform_9, window_bounds = array<i64: 1, 2>}, {transform_indices = @transform_10, window_bounds = array<i64: 2048, 2>}]} {
    %get3A = arith.constant 0 : index
    %get3A_0 = arith.constant 0 : index
    %get3A_1 = arith.constant 0 : index
    %get3A_2 = vector.load %arg1[%get3A, %get3A_0, %get3A_1] : memref<2x2048x128xf32, #tpu.memory_space<vmem>>, vector<1x2048x128xf32>
    %get3A_3 = vector.shape_cast %get3A_2 : vector<1x2048x128xf32> to vector<2048x128xf32>
    %get3A_4 = arith.constant 1 : index
    %get3A_5 = arith.constant 0 : index
    %get3A_6 = arith.constant 0 : index
    %get3A_7 = vector.load %arg1[%get3A_4, %get3A_5, %get3A_6] : memref<2x2048x128xf32, #tpu.memory_space<vmem>>, vector<1x2048x128xf32>
    %get3A_8 = vector.shape_cast %get3A_7 : vector<1x2048x128xf32> to vector<2048x128xf32>
    %add3A = arith.addf %get3A_3, %get3A_8 : vector<2048x128xf32>
    %get3A_9 = arith.constant 0 : index
    %get3A_10 = arith.constant 0 : index
    %get3A_11 = arith.constant 0 : index
    %get3A_12 = vector.load %arg2[%get3A_9, %get3A_10, %get3A_11] : memref<2x2048x128xf32, #tpu.memory_space<vmem>>, vector<1x2048x128xf32>
    %get3A_13 = vector.shape_cast %get3A_12 : vector<1x2048x128xf32> to vector<2048x128xf32>
    %get3A_14 = arith.constant 1 : index
    %get3A_15 = arith.constant 0 : index
    %get3A_16 = arith.constant 0 : index
    %get3A_17 = vector.load %arg2[%get3A_14, %get3A_15, %get3A_16] : memref<2x2048x128xf32, #tpu.memory_space<vmem>>, vector<1x2048x128xf32>
    %get3A_18 = vector.shape_cast %get3A_17 : vector<1x2048x128xf32> to vector<2048x128xf32>
    %add3A_19 = arith.addf %get3A_13, %get3A_18 : vector<2048x128xf32>
    %add3A_20 = arith.addf %add3A, %add3A_19 : vector<2048x128xf32>
    %get3A_21 = arith.constant 0 : index
    %get3A_22 = arith.constant 0 : index
    %get3A_23 = arith.constant 0 : index
    %get3A_24 = vector.load %arg3[%get3A_21, %get3A_22, %get3A_23] : memref<2x2048x1xf32, #tpu.memory_space<vmem>>, vector<1x2048x1xf32>
    %get3A_25 = vector.shape_cast %get3A_24 : vector<1x2048x1xf32> to vector<2048x1xf32>
    %get3A_26 = arith.constant 1 : index
    %get3A_27 = arith.constant 0 : index
    %get3A_28 = arith.constant 0 : index
    %get3A_29 = vector.load %arg3[%get3A_26, %get3A_27, %get3A_28] : memref<2x2048x1xf32, #tpu.memory_space<vmem>>, vector<1x2048x1xf32>
    %get3A_30 = vector.shape_cast %get3A_29 : vector<1x2048x1xf32> to vector<2048x1xf32>
    %add3A_31 = arith.addf %get3A_25, %get3A_30 : vector<2048x1xf32>
    %get3A_32 = arith.constant 0 : index
    %get3A_33 = arith.constant 0 : index
    %get3A_34 = arith.constant 0 : index
    %get3A_35 = vector.load %arg4[%get3A_32, %get3A_33, %get3A_34] : memref<2x2048x1xf32, #tpu.memory_space<vmem>>, vector<1x2048x1xf32>
    %get3A_36 = vector.shape_cast %get3A_35 : vector<1x2048x1xf32> to vector<2048x1xf32>
    %get3A_37 = arith.constant 1 : index
    %get3A_38 = arith.constant 0 : index
    %get3A_39 = arith.constant 0 : index
    %get3A_40 = vector.load %arg4[%get3A_37, %get3A_38, %get3A_39] : memref<2x2048x1xf32, #tpu.memory_space<vmem>>, vector<1x2048x1xf32>
    %get3A_41 = vector.shape_cast %get3A_40 : vector<1x2048x1xf32> to vector<2048x1xf32>
    %add3A_42 = arith.addf %get3A_36, %get3A_41 : vector<2048x1xf32>
    %add3A_43 = arith.addf %add3A_31, %add3A_42 : vector<2048x1xf32>
    %add3A_44 = arith.constant 1.000000e-16 : f32
    %add3A_45 = vector.broadcast %add3A_44 : f32 to vector<2048x1xf32>
    %add3A_46 = arith.addf %add3A_43, %add3A_45 : vector<2048x1xf32>
    %div3A = arith.constant 1.000000e+00 : f32
    %div3A_47 = vector.broadcast %div3A : f32 to vector<2048x1xf32>
    %div3A_48 = arith.divf %div3A_47, %add3A_46 : vector<2048x1xf32>
    %mul3A = vector.broadcast %div3A_48 : vector<2048x1xf32> to vector<2048x128xf32>
    %mul3A_49 = arith.mulf %add3A_20, %mul3A : vector<2048x128xf32>
    %get3A_50 = arith.constant 0 : index
    %get3A_51 = arith.constant 0 : index
    %get3A_52 = vector.load %arg5[%get3A_50, %get3A_51] : memref<128x256xf32, #tpu.memory_space<vmem>>, vector<128x256xf32>
    %dot_general3A = arith.constant dense<0.000000e+00> : vector<2048x256xf32>
    %dot_general3A_53 = tpu.matmul %mul3A_49, %get3A_52, %dot_general3A {dimension_numbers = #tpu.dot_dimension_numbers<[1], [0], [0], [1], [0, 0, 1, 1], [], []>, transpose_lhs_hint = false} : vector<2048x128xf32>, vector<128x256xf32>, vector<2048x256xf32> -> vector<2048x256xf32>
    %get3A_54 = arith.constant 0 : index
    %get3A_55 = arith.constant 0 : index
    %get3A_56 = vector.load %arg6[%get3A_54, %get3A_55] : memref<1x256xf32, #tpu.memory_space<vmem>>, vector<1x256xf32>
    %add3A_57 = vector.broadcast %get3A_56 : vector<1x256xf32> to vector<2048x256xf32>
    %add3A_58 = arith.addf %dot_general3A_53, %add3A_57 : vector<2048x256xf32>
    %max3A = arith.constant 0.000000e+00 : f32
    %max3A_59 = vector.broadcast %max3A : f32 to vector<2048x256xf32>
    %max3A_60 = arith.maximumf %add3A_58, %max3A_59 : vector<2048x256xf32>
    %get3A_61 = arith.constant 0 : index
    %get3A_62 = arith.constant 0 : index
    %get3A_63 = vector.load %arg7[%get3A_61, %get3A_62] : memref<256x256xf32, #tpu.memory_space<vmem>>, vector<256x256xf32>
    %dot_general3A_64 = arith.constant dense<0.000000e+00> : vector<2048x256xf32>
    %dot_general3A_65 = tpu.matmul %max3A_60, %get3A_63, %dot_general3A_64 {dimension_numbers = #tpu.dot_dimension_numbers<[1], [0], [0], [1], [0, 0, 1, 1], [], []>, transpose_lhs_hint = false} : vector<2048x256xf32>, vector<256x256xf32>, vector<2048x256xf32> -> vector<2048x256xf32>
    %get3A_66 = arith.constant 0 : index
    %get3A_67 = arith.constant 0 : index
    %get3A_68 = vector.load %arg8[%get3A_66, %get3A_67] : memref<1x256xf32, #tpu.memory_space<vmem>>, vector<1x256xf32>
    %add3A_69 = vector.broadcast %get3A_68 : vector<1x256xf32> to vector<2048x256xf32>
    %add3A_70 = arith.addf %dot_general3A_65, %add3A_69 : vector<2048x256xf32>
    %max3A_71 = arith.constant 0.000000e+00 : f32
    %max3A_72 = vector.broadcast %max3A_71 : f32 to vector<2048x256xf32>
    %max3A_73 = arith.maximumf %add3A_70, %max3A_72 : vector<2048x256xf32>
    %get3A_74 = arith.constant 0 : index
    %get3A_75 = arith.constant 0 : index
    %get3A_76 = vector.load %arg9[%get3A_74, %get3A_75] : memref<256x2xf32, #tpu.memory_space<vmem>>, vector<256x2xf32>
    %dot_general3A_77 = arith.constant dense<0.000000e+00> : vector<2048x2xf32>
    %dot_general3A_78 = tpu.matmul %max3A_73, %get3A_76, %dot_general3A_77 {dimension_numbers = #tpu.dot_dimension_numbers<[1], [0], [0], [1], [0, 0, 1, 1], [], []>, transpose_lhs_hint = false} : vector<2048x256xf32>, vector<256x2xf32>, vector<2048x2xf32> -> vector<2048x2xf32>
    %get3A_79 = arith.constant 0 : index
    %get3A_80 = arith.constant 0 : index
    %get3A_81 = vector.load %arg10[%get3A_79, %get3A_80] : memref<1x2xf32, #tpu.memory_space<vmem>>, vector<1x2xf32>
    %add3A_82 = vector.broadcast %get3A_81 : vector<1x2xf32> to vector<2048x2xf32>
    %add3A_83 = arith.addf %dot_general3A_78, %add3A_82 : vector<2048x2xf32>
    %swap3A = arith.constant 0 : index
    %swap3A_84 = arith.constant 0 : index
    %swap3A_85 = vector.load %arg11[%swap3A, %swap3A_84] : memref<2048x2xf32, #tpu.memory_space<vmem>>, vector<2048x2xf32>
    tpu.vector_store %arg11[%swap3A, %swap3A_84], %add3A_83 {strides = array<i32>} : memref<2048x2xf32, #tpu.memory_space<vmem>>, vector<2048x2xf32>,
    return
  }
  func.func @transform_0(%arg0: i32) -> (i32, i32, i32) {
    %c0_i32 = arith.constant 0 : i32
    %c0_i32_0 = arith.constant 0 : i32
    %c0_i32_1 = arith.constant 0 : i32
    return %c0_i32, %arg0, %c0_i32_0 : i32, i32, i32
  }
  func.func @transform_1(%arg0: i32) -> (i32, i32, i32) {
    %c0_i32 = arith.constant 0 : i32
    %c0_i32_0 = arith.constant 0 : i32
    %c0_i32_1 = arith.constant 0 : i32
    return %c0_i32, %arg0, %c0_i32_0 : i32, i32, i32
  }
  func.func @transform_2(%arg0: i32) -> (i32, i32, i32) {
    %c0_i32 = arith.constant 0 : i32
    %c0_i32_0 = arith.constant 0 : i32
    %c0_i32_1 = arith.constant 0 : i32
    return %c0_i32, %arg0, %c0_i32_0 : i32, i32, i32
  }
  func.func @transform_3(%arg0: i32) -> (i32, i32, i32) {
    %c0_i32 = arith.constant 0 : i32
    %c0_i32_0 = arith.constant 0 : i32
    %c0_i32_1 = arith.constant 0 : i32
    return %c0_i32, %arg0, %c0_i32_0 : i32, i32, i32
  }
  func.func @transform_4(%arg0: i32) -> (i32, i32) {
    %c0_i32 = arith.constant 0 : i32
    %c0_i32_0 = arith.constant 0 : i32
    %c0_i32_1 = arith.constant 0 : i32
    return %c0_i32, %c0_i32_0 : i32, i32
  }
  func.func @transform_5(%arg0: i32) -> (i32, i32) {
    %c0_i32 = arith.constant 0 : i32
    %c0_i32_0 = arith.constant 0 : i32
    %c0_i32_1 = arith.constant 0 : i32
    return %c0_i32, %c0_i32_0 : i32, i32
  }
  func.func @transform_6(%arg0: i32) -> (i32, i32) {
    %c0_i32 = arith.constant 0 : i32
    %c0_i32_0 = arith.constant 0 : i32
    %c0_i32_1 = arith.constant 0 : i32
    return %c0_i32, %c0_i32_0 : i32, i32
  }
  func.func @transform_7(%arg0: i32) -> (i32, i32) {
    %c0_i32 = arith.constant 0 : i32
    %c0_i32_0 = arith.constant 0 : i32
    %c0_i32_1 = arith.constant 0 : i32
    return %c0_i32, %c0_i32_0 : i32, i32
  }
  func.func @transform_8(%arg0: i32) -> (i32, i32) {
    %c0_i32 = arith.constant 0 : i32
    %c0_i32_0 = arith.constant 0 : i32
    %c0_i32_1 = arith.constant 0 : i32
    return %c0_i32, %c0_i32_0 : i32, i32
  }
  func.func @transform_9(%arg0: i32) -> (i32, i32) {
    %c0_i32 = arith.constant 0 : i32
    %c0_i32_0 = arith.constant 0 : i32
    %c0_i32_1 = arith.constant 0 : i32
    return %c0_i32, %c0_i32_0 : i32, i32
  }
  func.func @transform_10(%arg0: i32) -> (i32, i32) {
    %c0_i32 = arith.constant 0 : i32
    %c0_i32_0 = arith.constant 0 : i32
    return %arg0, %c0_i32 : i32, i32
  }
}

</mosaic_0001>

<sc_bundles>
// kernel: kernel.10.cloned.1.call-start
scs
__scs_entry_jumppad:
0x0: {  	(pc) =	sbr.rel $0x88, $3  }
0x1: {  	(tag) =	ssettag $0x0;
	lr =	simm.s32 $0x1  }
0x2: {  	[smem:$0x3F8D] =	sst lr;
	_ =	strace $0xD0000000  }
0x3: {  	_ = 	snop  }
0x4: {  	_ = 	snop  }
0x5: {  	_ = 	snop  }
0x6: {  	_ = 	snop  }
0x7: {  	_ = 	snop  }
__scs_overlays_trampoline_lowered:
0x8: {  	[smem:$0x3F9C] =	sst s0  }
0x9: {  	[smem:$0x3F9D] =	sst s1  }
0xa: {  	[smem:$0x3F9E] =	sst s2  }
0xb: {  	[smem:$0x3F9F] =	sst s3  }
0xc: {  	[smem:$0x3FA0] =	sst s4  }
0xd: {  	[smem:$0x3FA1] =	sst s5  }
0xe: {  	[smem:$0x3FA2] =	sst s6  }
0xf: {  	[smem:$0x3FA3] =	sst s7  }
0x10: {  	[smem:$0x3FA4] =	sst s8  }
0x11: {  	[smem:$0x3FA5] =	sst s9;
	s0 =	simm.s32 @!p0 $0x0  }
0x12: {  	s1 =	sld [smem:$0x3F8B];
	s0 =	simm.s32 @p0 $0x1  }
0x13: {  	[smem:$0x3FA6] =	sst s0;
	s0 =	simm.s32 @!p1 $0x0  }
0x14: {  	s2 =	sld [smem:$0x3F8A];
	s0 =	simm.s32 @p1 $0x1  }
0x15: {  	[smem:$0x3FA7] =	sst s0;
	s0 =	simm.s32 @!p2 $0x0  }
0x16: {  	s3 =	sld [smem:$0x3FDB];
	s0 =	simm.s32 @p2 $0x1  }
0x17: {  	s4 =	simm.s32 $0x1BF5;
	[smem:$0x3FA9] =	sst s0  }
0x18: {  	s0 =	sld [smem:$0x3F8C];
	_ =	swait.ge [sflag:s4], $0x0  }
0x19: {  	s7 =	sld [smem:$0x3F8D]  }
0x1a: {  	s8 =	sadd.s32 $0xFFFFE003, lr  }
0x1b: {  	s9 =	sadd.s32 $0xFFFFFEF7, lr;
	s5 =	simm.s32 $0xFFFFFFFF;
	p2 =	slt.u32 s8, $0xFFFFF086  }
0x1c: {  	p1 =	slt.u32 s9, $0xF7A;
	s5 =	simm.s32 @!p2 $0x0  }
0x1d: {  	s5 =	simm.s32 @p1 $0x1;
	p0 =	seq.s32 s7, s2  }
0x1e: {  	s7 =	smul.u32 @!p0 $0xF7A, s2;
	p2 =	seq.s32 @!p0 s5, $0x0  }
0x1f: {  	s9 =	smul.u32 $0xF7A, s1;
	s8 =	simm.s32 @!p0 $0x1BF5;
	p2 =	por !p2, p0  }
0x20: {  	[sflag:s8] =	ssyncset.s32 @!p0 $0xFFFFF086;
	s6 =	sadd.s32 @!p0 s3, s7;
	s7 =	simm.s32 @!p0 $0x108  }
0x21: {  	s3 =	sadd.s32 s3, s9;
	s6 =	sadd.s32 @!p0 $0x88, s6;
	s7 =	simm.s32 @p2 $0x1082  }
0x22: {  	[simem:s7], [sflag:s8] =	dma.local @!p0 [hbm:s6], $0xF7A  }
0x23: {  	s9 =	sor.u32 $0xD0000000, s2;
	s6 =	simm.s32 $0x108;
	_ =	swait.ge @!p0 [sflag:s8], $0x0  }
0x24: {  	s3 =	sadd.s32 $0x88, s3;
	s6 =	simm.s32 @!p1 $0x1082;
	[sflag:s4] =	ssyncset.s32 $0xFFFFF086  }
0x25: {  	[simem:s6], [sflag:s4] =	dma.local [hbm:s3], $0xF7A  }
0x26: {  	[smem:$0x3F8D] =	sst s1;
	(tag) =	ssettag s2;
	_ =	strace s9  }
0x27: {  	s1 =	sld [smem:$0x3F9D]  }
0x28: {  	s2 =	sld [smem:$0x3F9E]  }
0x29: {  	s4 =	sld [smem:$0x3FA0]  }
0x2a: {  	p0 =	seq.s32 s5, $0x0;
	s5 =	sld [smem:$0x3FA1]  }
0x2b: {  	s6 =	sld [smem:$0x3FA2]  }
0x2c: {  	s7 =	sld [smem:$0x3FA3]  }
0x2d: {  	s3 =	simm.s32 $0x108;
	s8 =	sld [smem:$0x3FA4]  }
0x2e: {  	s3 =	simm.s32 @!p0 $0x1082;
	s9 =	sld [smem:$0x3FA5]  }
0x2f: {  	lr =	sadd.s32 s0, s3;
	s0 =	sld [smem:$0x3F9C]  }
0x30: {  	s3 =	sld [smem:$0x3F9F]  }
0x31: {  	[smem:$0x3FA8] =	sst s10  }
0x32: {  	s10 =	sld [smem:$0x3FA6];
	_ =	sdelay $0x3  }
0x33: {  	p0 =	seq.s32 s10, $0x1;
	s10 =	sld [smem:$0x3FA8];
	_ =	sdelay $0x3  }
0x34: {  	[smem:$0x3FA8] =	sst s10  }
0x35: {  	s10 =	sld [smem:$0x3FA7];
	_ =	sdelay $0x3  }
0x36: {  	p1 =	seq.s32 s10, $0x1;
	s10 =	sld [smem:$0x3FA8];
	_ =	sdelay $0x3  }
0x37: {  	[smem:$0x3FA8] =	sst s10  }
0x38: {  	s10 =	sld [smem:$0x3FA9]  }
0x39: {  	_ = 	snop;
	(pc) =	sbr.ind lr, $3  }
0x3a: {  	_ = 	snop  }
0x3b: {  	_ = 	snop  }
0x3c: {  	p2 =	seq.s32 s10, $0x1;
	s10 =	sld [smem:$0x3FA8]  }
0x3d: {  	_ =	shalt  }
0x3e: {  	_ =	shalt  }
0x3f: {  	_ =	shalt  }
0x40: {  	_ =	shalt  }
0x41: {  	_ =	shalt  }
0x42: {  	_ =	shalt  }
0x43: {  	_ =	shalt  }
0x44: {  	_ =	shalt  }
0x45: {  	_ =	shalt  }
0x46: {  	_ =	shalt  }
0x47: {  	_ =	shalt  }
0x48: {  	_ =	shalt  }
0x49: {  	_ =	shalt  }
0x4a: {  	_ =	shalt  }
0x4b: {  	_ =	shalt  }
0x4c: {  	_ =	shalt  }
0x4d: {  	_ =	shalt  }
0x4e: {  	_ =	shalt  }
0x4f: {  	_ =	shalt  }
0x50: {  	_ =	shalt  }
0x51: {  	_ =	shalt  }
0x52: {  	_ =	shalt  }
0x53: {  	_ =	shalt  }
0x54: {  	_ =	shalt  }
0x55: {  	_ =	shalt  }
0x56: {  	_ =	shalt  }
0x57: {  	_ =	shalt  }
0x58: {  	_ =	shalt  }
0x59: {  	_ =	shalt  }
0x5a: {  	_ =	shalt  }
0x5b: {  	_ =	shalt  }
0x5c: {  	_ =	shalt  }
0x5d: {  	_ =	shalt  }
0x5e: {  	_ =	shalt  }
0x5f: {  	_ =	shalt  }
0x60: {  	_ =	shalt  }
0x61: {  	_ =	shalt  }
0x62: {  	_ =	shalt  }
0x63: {  	_ =	shalt  }
0x64: {  	_ =	shalt  }
0x65: {  	_ =	shalt  }
0x66: {  	_ =	shalt  }
0x67: {  	_ =	shalt  }
0x68: {  	_ =	shalt  }
0x69: {  	_ =	shalt  }
0x6a: {  	_ =	shalt  }
0x6b: {  	_ =	shalt  }
0x6c: {  	_ =	shalt  }
0x6d: {  	_ =	shalt  }
0x6e: {  	_ =	shalt  }
0x6f: {  	_ =	shalt  }
0x70: {  	_ =	shalt  }
0x71: {  	_ =	shalt  }
0x72: {  	_ =	shalt  }
0x73: {  	_ =	shalt  }
0x74: {  	_ =	shalt  }
0x75: {  	_ =	shalt  }
0x76: {  	_ =	shalt  }
0x77: {  	_ =	shalt  }
0x78: {  	_ =	shalt  }
0x79: {  	_ =	shalt  }
0x7a: {  	_ =	shalt  }
0x7b: {  	_ =	shalt  }
0x7c: {  	_ =	shalt  }
0x7d: {  	_ =	shalt  }
0x7e: {  	_ =	shalt  }
0x7f: {  	_ =	shalt  }
0x80: {  	_ =	shalt  }
0x81: {  	_ =	shalt  }
0x82: {  	_ =	shalt  }
0x83: {  	_ =	shalt  }
0x84: {  	_ =	shalt  }
0x85: {  	_ =	shalt  }
0x86: {  	_ =	shalt  }
0x87: {  	_ =	shalt  }
.Lfunc_end0:
.L_simem_size_0:
called_computation.1_lowered:
.L_overlay_start_0:
0x88: {  	s2 =	sld [smem:$0x3FD9]  }
0x89: {  	s3 =	sld [smem:$0x3FFE];
	_ =	sdelay $0x1  }
0x8a: {  	s1 =	srdreg.scid  }
0x8b: {  	s0 =	sand.u32 $0x1, s1  }
0x8c: {  	s17 =	sshll.u32 s0, $0xA;
	s2 =	sadd.s32 s3, s2  }
0x8d: {  	s2 =	sadd.s32 s2, s17  }
0x8e: {  	[smem:$0x3FB4] =	sst s2  }
0x8f: {  	_ = 	snop  }
0x90: {  	(tm) =	ssettm $0x1  }
0x91: {  	s18 =	sld [smem:$0x3FFB];
	_ =	sdelay $0x3  }
0x92: {  	_ =	strace s18  }
0x93: {  	s2 =	sld [smem:$0x3FFC];
	_ =	sdelay $0x3  }
0x94: {  	_ =	strace s2  }
0x95: {  	s2 =	sld [smem:$0x3FFD];
	_ =	sdelay $0x3  }
0x96: {  	_ =	strace s2  }
0x97: {  	_ =	strace $0x8FFFFFFF  }
0x98: {  	s19 =	sld [smem:$0x3FDB];
	_ =	sdelay $0x1  }
0x99: {  	s20 =	simm.s32 $_scs_section_size  }
0x9a: {  	s4 =	simm.s32 $_size__tile_overlayer_lowered;
	s5 =	simm.s32 $_tile_overlayer_lowered  }
0x9b: {  	s6 =	simm.s32 $0x1BFF;
	s21 =	sshll.u32 s5, $0x1;
	s3 =	sadd.s32 s20, s19  }
0x9c: {  	s22 =	simm.s32 $0x0;
	s4 =	sshll.u32 s4, $0x1;
	s5 =	sadd.s32 s21, s3  }
0x9d: {  	[timem:s22], [sflag:s6] =	dma.local [hbm:s5], s4  }
0x9e: {  	_ =	swait.ge [sflag:s6], s4  }
0x9f: {  	s4 =	ssub.s32 $0x0, s4;
	[sflag:s6] =	ssyncset.done $0x0  }
0xa0: {  	[sflag:s6] =	ssyncadd.s32 s4;
	_ =	sdelay $0x1  }
0xa1: {  	s23 =	simm.s32 $0x1B8B  }
0xa2: {  	_ =	swait.ge [sflag:s23], $0x1  }
0xa3: {  	[sflag:s23] =	ssyncset.done $0x0  }
0xa4: {  	[sflag:s23] =	ssyncadd.s32 $0xFFFFFFFF  }
0xa5: {  	s4 =	sld [smem:$0x0]  }
0xa6: {  	s5 =	sand.u32 $0xFFFFFFFE, s1  }
0xa7: {  	p0 =	sne.s32 s1, s5  }
0xa8: {  	s5 =	sshll.u32 @p0 s5, $0xE  }
0xa9: {  	s5 =	sadd.s32 @p0 $0x11B8D, s5;
	s6 =	sshll.u32 @p0 s4, $0x11  }
0xaa: {  	s5 =	sor.u32 @p0 s6, s5  }
0xab: {  	[sflag:s5] =	ssyncadd.remote.s32 @p0 $0x1;
	_ =	sdelay $0x1  }
0xac: {  	s5 =	simm.s32 @p0 $0x1B8D  }
0xad: {  	_ =	swait.eq @p0 [sflag:s5], $0x1  }
0xae: {  	[sflag:s5] =	ssyncadd.s32 @p0 $0xFFFFFFFF  }
0xaf: {  	s6 =	sshll.u32 @!p0 s1, $0xE  }
0xb0: {  	s6 =	sor.u32 @!p0 $0x4000, s6;
	s5 =	simm.s32 @!p0 $0x1B8D  }
0xb1: {  	s4 =	sshll.u32 @!p0 s4, $0x11;
	s6 =	sadd.s32 @!p0 $0x11B8D, s6;
	_ =	swait.eq @!p0 [sflag:s5], $0x1  }
0xb2: {  	s4 =	sor.u32 @!p0 s4, s6;
	[sflag:s5] =	ssyncadd.s32 @!p0 $0xFFFFFFFF  }
0xb3: {  	s25 =	simm.s32 $0x1B8E;
	s24 =	sld [smem:$0x3FFE];
	[sflag:s4] =	ssyncadd.remote.s32 @!p0 $0x1  }
0xb4: {  	s26 =	simm.s32 $execute0_lowered;
	[smem:$0x3FD2] =	sst s25  }
0xb5: {  	s5 =	sshll.u32 s26, $0x1;
	_ =	strace $0x80000049;
	[dreg:$0x1] =	wrdreg $0xFFFFFFFF  }
0xb6: {  	s28 =	simm.s32 $_size_execute0_lowered;
	s3 =	sadd.s32 s3, s5;
	[dreg:$0x0] =	wrdreg $0x0  }
0xb7: {  	s5 =	sshll.u32 s28, $0x1;
	[dreg:$0x2] =	wrdreg s3  }
0xb8: {  	[dreg:$0x3] =	wrdreg s5  }
0xb9: {  	[dreg:$0x4] =	wrdreg $0xC0  }
0xba: {  	_ =	task [dreg:s22], $0x5FFFF  }
0xbb: {  	[dreg:$0x1] =	wrdreg $0xFFFFFFFF  }
0xbc: {  	[dreg:$0x0] =	wrdreg $0x60  }
0xbd: {  	[dreg:$0x2] =	wrdreg s24  }
0xbe: {  	[dreg:$0x3] =	wrdreg $0x7C800  }
0xbf: {  	[dreg:$0x4] =	wrdreg $0x1BC800  }
0xc0: {  	[dreg:$0x5] =	wrdreg $0xA  }
0xc1: {  	_ =	task.clear_ibuf [dreg:s22], $0x6FFFF;
	_ =	strace $0x90000049  }
0xc2: {  	s29 =	simm.s32 $0xA;
	_ =	strace $0x8000004B  }
0xc3: {  	_ =	swait.ge [sflag:s29], $0x1  }
0xc4: {  	[sflag:s29] =	ssyncadd.s32 $0xFFFFFFFF  }
0xc5: {  	_ =	strace $0x9000004B  }
0xc6: {  	_ =	sfence  }
0xc7: {  	s30 =	sld [smem:$0x0];
	_ =	sdelay $0x2  }
0xc8: {  	s31 =	sshll.u32 s1, $0xD;
	s1 =	sshrl.u32 s1, $0x2  }
0xc9: {  	s4 =	sand.u32 $0x4000, s31;
	s1 =	sadd.s32 s1, s30  }
0xca: {  	s0 =	sor.u32 s4, s0;
	s1 =	sshll.u32 s1, $0x11  }
0xcb: {  	s0 =	sor.u32 s1, s0  }
0xcc: {  	s0 =	sadd.s32 $0x8F2B, s0  }
0xcd: {  	[sflag:s0] =	ssyncadd.remote.s32 $0x1  }
0xce: {  	_ =	sfence.sel $0xFFFF  }
0xcf: {  	[dreg:$0x0] =	wrdreg $0xFFFFFFFF;
	(pc) =	sbr.abs _section_cstart, $3  }
0xd0: {  	[dreg:$0x1] =	wrdreg $0xFFFFFFFF  }
0xd1: {  	_ =	task.clear_ibuf [dreg:s22], $0x2FFFF;
	_ =	strace $0x9FFFFFFF  }
0xd2: {  	(tm) =	ssettm $0x7FFFFFFF  }
0xd3: {  	_ =	shalt  }
tec
execute0_lowered:
.L_overlay_start_1:
0x0: {  	(tag) =	ssettag $0x1  }
0x1: {  	s0 =	rddreg [dreg:$0x0]  }
0x2: {  	s1 =	rddreg [dreg:$0x1]  }
0x3: {  	s2 =	rddreg [dreg:$0x2];
	s15 =	stileid.u32  }
0x4: {  	s3 =	srdreg.scid;
	s4 =	simm.s32 $0x0;
	s7 =	smul.u32 $0x14000, s15  }
0x5: {  	s28 =	simm.s32 $0x5;
	s30 =	simm.s32 $0x100;
	s9 =	smul.u32 $0x500, s15  }
0x6: {  	s31 =	simm.s32 $0x1;
	s29 =	simm.s32 $0x80;
	s21 =	smul.u32 $0xA00, s15  }
0x7: {  	s3 =	sand.u32 $0x1, s3;
	[smem:$0x7FF] =	sst s4;
	s24 =	smul.u32 $0x50000, s15  }
0x8: {  	s8 =	sadd.s32 $0x644800, s0;
	s5 =	sadd.s32 $0x61A00, s0;
	s6 =	smul.u32 $0x140000, s3  }
0x9: {  	_ =	strace $0x8000004A;
	s19 =	sshll.u32 s3, $0x7;
	s17 =	smul.u32 $0xE100, s3  }
0xa: {  	s11 =	sshll.u32 s3, $0x4;
	s12 =	ssub.s32 $0x2, s3;
	s3 =	smul.u32 $0xE1000, s3  }
0xb: {  	s20 =	sor.u32 s15, s11;
	s22 =	sshrl.u32 s12, $0x1;
	s23 =	sshrl.u32 s21, $0x2  }
0xc: {  	s7 =	sadd.s32 s7, s6;
	s13 =	smul.u32 $0xE10, s20;
	s14 =	ssub.s32 s12, s22  }
0xd: {  	s6 =	sadd.s32 $0x65400, s0;
	s7 =	sshrl.u32 s7, $0x3;
	s14 =	smax.u32 s14, $0x1  }
0xe: {  	s10 =	sadd.s32 s7, s0;
	s7 =	sor.u32 s19, s9;
	s25 =	sshrl.u32 s13, $0x3  }
0xf: {  	s9 =	smul.u32 $0xE100, s20;
	[dreg:$0x9] =	wrdreg s14;
	s26 =	sadd.s32 s6, s25  }
0x10: {  	s13 =	sshrl.u32 s24, $0x2;
	s10 =	sadd.s32 $0x69800, s10;
	[dreg:$0x5] =	wrdreg s26  }
0x11: {  	s12 =	sadd.s32 s13, s1;
	s9 =	sadd.s32 s8, s9;
	[dreg:$0x7] =	wrdreg s10  }
0x12: {  	s3 =	sadd.s32 s3, s8;
	s16 =	sadd.s32 $0x2800, s12;
	[dreg:$0x4] =	wrdreg s9  }
0x13: {  	s19 =	smul.u32 $0xE10, s15;
	s18 =	sadd.s32 $0x7800, s12;
	[dreg:$0xa] =	wrdreg s16  }
0x14: {  	s14 =	simm.s32 $0x0;
	s20 =	sadd.s32 $0xA000, s12;
	[dreg:$0xc] =	wrdreg s18  }
0x15: {  	s7 =	sshrl.u32 s7, $0x3;
	s21 =	sadd.s32 $0xC800, s12;
	[dreg:$0xd] =	wrdreg s20  }
0x16: {  	s0 =	sadd.s32 s7, s0;
	s22 =	sadd.s32 $0xF000, s12;
	[dreg:$0xe] =	wrdreg s21  }
0x17: {  	s7 =	sadd.s32 s23, s2;
	s24 =	sadd.s32 $0x11800, s12;
	[dreg:$0xf] =	wrdreg s22  }
0x18: {  	s23 =	smul.u32 $0xE100, s15;
	s9 =	sadd.s32 s5, s25;
	[dreg:$0x10] =	wrdreg s24  }
0x19: {  	s8 =	simm.s32 $0x78;
	s0 =	sadd.s32 $0x68E00, s0;
	[dreg:$0x6] =	wrdreg s9  }
0x1a: {  	s10 =	simm.s32 $0x2;
	[dreg:$0x8] =	wrdreg s0;
	s9 =	sadd.s32 $0x5000, s12  }
0x1b: {  	s0 =	sadd.s32 s19, s17;
	s22 =	sadd.s32 s23, s3;
	s3 =	simm.s32 $0x180  }
0x1c: {  	[dreg:$0xb] =	wrdreg s9;
	s25 =	sadd.s32 $0x78, s0;
	s18 =	sadd.s32 $0xF0, s0  }
0x1d: {  	s0 =	simm.s32 $0x3E00;
	s9 =	simm.s32 $0x6;
	s26 =	sshrl.u32 s25, $0x3  }
0x1e: {  	v0 =	vimm.f32 $0.0e+00;
	s24 =	sadd.s32 s26, s5;
	s25 =	sadd.s32 s26, s6;
	s26 =	simm.s32 $0x200  }
.LBB2_1:
0x1f: {  	s15 =	simm.s32 $0x70;
	s16 =	simm.s32 $0x3C0  }
.LBB2_2:
0x20: {  	p0 =	sne.s32 s16, $0xEFC0;
	[tilespmem:s15+$0x200] =	vst v0  }
0x21: {  	[tilespmem:s15+$0x190] =	vst v0  }
0x22: {  	[tilespmem:s15+$0x1A0] =	vst v0  }
.Ltmp0:
0x23: {  	[tilespmem:s15+$0x1B0] =	vst v0;
	(pc) =	sbr.rel @p0 .LBB2_2-.Ltmp0, $4  }
0x24: {  	[tilespmem:s15+$0x1C0] =	vst v0  }
0x25: {  	[tilespmem:s15+$0x1D0] =	vst v0  }
0x26: {  	[tilespmem:s15+$0x1E0] =	vst v0  }
0x27: {  	[tilespmem:s15+$0x1F0] =	vst v0;
	s15 =	sshra.s32 s16, $0x2;
	s16 =	sadd.s32 $0x200, s16  }
0x28: {  	[tilespmem:s15+$0x200] =	vst v0  }
0x29: {  	[tilespmem:s15+$0x190] =	vst v0  }
0x2a: {  	[tilespmem:s15+$0x1A0] =	vst v0  }
0x2b: {  	[tilespmem:s15+$0x1B0] =	vst v0  }
0x2c: {  	[tilespmem:s15+$0x1C0] =	vst v0  }
0x2d: {  	[tilespmem:s15+$0x1D0] =	vst v0  }
0x2e: {  	[tilespmem:s15+$0x1E0] =	vst v0  }
0x2f: {  	[tilespmem:s15+$0x1F0] =	vst v0  }
0x30: {  	[tilespmem:$0x7A00] =	vst v0  }
0x31: {  	[tilespmem:$0x7A10] =	vst v0  }
0x32: {  	[tilespmem:$0x7A20] =	vst v0  }
0x33: {  	[tilespmem:$0x7A30] =	vst v0  }
0x34: {  	[tilespmem:$0x7A40] =	vst v0  }
0x35: {  	[tilespmem:$0x7A50] =	vst v0  }
0x36: {  	[tilespmem:$0x7A60] =	vst v0  }
0x37: {  	[tilespmem:$0x7A70] =	vst v0  }
0x38: {  	[tilespmem:$0x7A80] =	vst v0  }
0x39: {  	[tilespmem:$0x7A90] =	vst v0  }
0x3a: {  	[tilespmem:$0x7AA0] =	vst v0  }
0x3b: {  	[tilespmem:$0x7AB0] =	vst v0  }
0x3c: {  	[tilespmem:$0x7AC0] =	vst v0  }
0x3d: {  	[tilespmem:$0x7AD0] =	vst v0  }
0x3e: {  	[tilespmem:$0x7AE0] =	vst v0  }
0x3f: {  	[tilespmem:$0x7AF0] =	vst v0  }
0x40: {  	[tilespmem:$0x7B00] =	vst v0  }
0x41: {  	[tilespmem:$0x7B10] =	vst v0  }
0x42: {  	[tilespmem:$0x7B20] =	vst v0  }
0x43: {  	[tilespmem:$0x7B30] =	vst v0  }
0x44: {  	[tilespmem:$0x7B40] =	vst v0  }
0x45: {  	[tilespmem:$0x7B50] =	vst v0  }
0x46: {  	[tilespmem:$0x7B60] =	vst v0  }
0x47: {  	[tilespmem:$0x7B70] =	vst v0  }
0x48: {  	[tilespmem:$0x7B80] =	vst v0  }
0x49: {  	[tilespmem:$0x7B90] =	vst v0  }
0x4a: {  	[tilespmem:$0x7BA0] =	vst v0  }
0x4b: {  	[tilespmem:$0x7BB0] =	vst v0  }
0x4c: {  	[tilespmem:$0x7BC0] =	vst v0  }
0x4d: {  	[tilespmem:$0x7BD0] =	vst v0  }
0x4e: {  	[tilespmem:$0x7BE0] =	vst v0  }
0x4f: {  	[tilespmem:$0x7BF0] =	vst v0  }
0x50: {  	[tilespmem:$0x7C00] =	vst v0  }
0x51: {  	[tilespmem:$0x7C10] =	vst v0  }
0x52: {  	[tilespmem:$0x7C20] =	vst v0  }
0x53: {  	[tilespmem:$0x7C30] =	vst v0  }
0x54: {  	[tilespmem:$0x7C40] =	vst v0  }
0x55: {  	[tilespmem:$0x7C50] =	vst v0  }
0x56: {  	[tilespmem:$0x7C60] =	vst v0  }
0x57: {  	[tilespmem:$0x7C70] =	vst v0  }
0x58: {  	[spmem:s12] =	stream.linear.scatter [tilespmem:s26], [sflag:$0x5], $0x2800, $0x38;
	[tilespmem:$0x1BF00] =	vst v63  }
0x59: {  	_ =	swait.ge [sflag:s28], $0x2800  }
0x5a: {  	[sflag:s28] =	ssyncset.done $0x0  }
0x5b: {  	s11 =	rddreg [dreg:$0xa];
	[sflag:s28] =	ssyncadd.s32 $0xFFFFD800  }
0x5c: {  	[spmem:s11] =	stream.linear.scatter [tilespmem:s26], [sflag:$0x5], $0x2800, $0x38;
	[tilespmem:$0x1BF00] =	vst v63  }
0x5d: {  	_ =	swait.ge [sflag:s28], $0x2800  }
0x5e: {  	[sflag:s28] =	ssyncset.done $0x0  }
0x5f: {  	s19 =	rddreg [dreg:$0xb];
	[sflag:s28] =	ssyncadd.s32 $0xFFFFD800  }
0x60: {  	[spmem:s19] =	stream.linear.scatter [tilespmem:s26], [sflag:$0x5], $0x2800, $0x38;
	[tilespmem:$0x1BF00] =	vst v63  }
0x61: {  	_ =	swait.ge [sflag:s28], $0x2800  }
0x62: {  	[sflag:s28] =	ssyncset.done $0x0  }
0x63: {  	s20 =	rddreg [dreg:$0xc];
	[sflag:s28] =	ssyncadd.s32 $0xFFFFD800  }
0x64: {  	[spmem:s20] =	stream.linear.scatter [tilespmem:s26], [sflag:$0x5], $0x2800, $0x38;
	[tilespmem:$0x1BF00] =	vst v63  }
0x65: {  	_ =	swait.ge [sflag:s28], $0x2800  }
0x66: {  	[sflag:s28] =	ssyncset.done $0x0  }
0x67: {  	s21 =	rddreg [dreg:$0xd];
	[sflag:s28] =	ssyncadd.s32 $0xFFFFD800  }
0x68: {  	[spmem:s21] =	stream.linear.scatter [tilespmem:s26], [sflag:$0x5], $0x2800, $0x38;
	[tilespmem:$0x1BF00] =	vst v63  }
0x69: {  	_ =	swait.ge [sflag:s28], $0x2800  }
0x6a: {  	[sflag:s28] =	ssyncset.done $0x0  }
0x6b: {  	s23 =	rddreg [dreg:$0xe];
	[sflag:s28] =	ssyncadd.s32 $0xFFFFD800  }
0x6c: {  	[spmem:s23] =	stream.linear.scatter [tilespmem:s26], [sflag:$0x5], $0x2800, $0x38;
	[tilespmem:$0x1BF00] =	vst v63  }
0x6d: {  	_ =	swait.ge [sflag:s28], $0x2800  }
0x6e: {  	[sflag:s28] =	ssyncset.done $0x0  }
0x6f: {  	s13 =	rddreg [dreg:$0xf];
	[sflag:s28] =	ssyncadd.s32 $0xFFFFD800  }
0x70: {  	[spmem:s13] =	stream.linear.scatter [tilespmem:s26], [sflag:$0x5], $0x2800, $0x38;
	[tilespmem:$0x1BF00] =	vst v63  }
0x71: {  	_ =	swait.ge [sflag:s28], $0x2800  }
0x72: {  	[sflag:s28] =	ssyncset.done $0x0  }
0x73: {  	s15 =	rddreg [dreg:$0x10];
	[sflag:s28] =	ssyncadd.s32 $0xFFFFD800  }
0x74: {  	[spmem:s15] =	stream.linear.scatter [tilespmem:s26], [sflag:$0x5], $0x2800, $0x38;
	[tilespmem:$0x1BF00] =	vst v63  }
0x75: {  	_ =	swait.ge [sflag:s28], $0x2800  }
0x76: {  	[sflag:s28] =	ssyncset.done $0x0  }
0x77: {  	s16 =	simm.s32 $0x7A00;
	[sflag:s28] =	ssyncadd.s32 $0xFFFFD800  }
0x78: {  	[spmem:s7] =	stream.linear.scatter [tilespmem:s16], [sflag:$0x5], $0x280, $0x38;
	[tilespmem:$0x1BF00] =	vst v63  }
0x79: {  	_ =	swait.ge [sflag:s28], $0x280  }
0x7a: {  	[sflag:s28] =	ssyncset.done $0x0  }
0x7b: {  	[sflag:s28] =	ssyncadd.s32 $0xFFFFFD80  }
0x7c: {  	[bflag:$0x0] =	sbarrier.arrive $0xFFFF  }
0x7d: {  	s17 =	simm.s32 $0x0;
	s19 =	rddreg [dreg:$0x4]  }
0x7e: {  	[tilespmem:s26], [sflag:$0x1] =	stream.linear.gather [hbm4b:s19+s17], $0x3C00, $0x38;
	[tilespmem:$0x1BF00] =	vst v63  }
0x7f: {  	s20 =	rddreg [dreg:$0x5]  }
0x80: {  	[tilespmem:s17], [sflag:$0x1] =	stream.linear.gather [hbm4b:s20+s17], $0x78, $0x38;
	[tilespmem:$0x1BF00] =	vst v63  }
0x81: {  	s21 =	rddreg [dreg:$0x6]  }
0x82: {  	[tilespmem:s30], [sflag:$0x1] =	stream.linear.gather [hbm4b:s21+s17], $0x78, $0x38;
	[tilespmem:$0x1BF00] =	vst v63  }
0x83: {  	_ =	swait.ge [sflag:s31], $0x3C00  }
0x84: {  	[sflag:s31] =	ssyncset.done $0x0  }
0x85: {  	[sflag:s31] =	ssyncadd.s32 $0xFFFFC400  }
0x86: {  	_ =	swait.ge [sflag:s31], $0x78  }
0x87: {  	[sflag:s31] =	ssyncset.done $0x0  }
0x88: {  	[sflag:s31] =	ssyncadd.s32 $0xFFFFFF88  }
0x89: {  	_ =	swait.ge [sflag:s31], $0x78  }
0x8a: {  	p0 =	por $0x1, $0x1;
	[sflag:s31] =	ssyncset.done $0x0  }
0x8b: {  	s15 =	simm.s32 @!p0 $0x4;
	[sflag:s31] =	ssyncadd.s32 $0xFFFFFF88  }
0x8c: {  	_ =	swait.ge @!p0 [sflag:s15], $0x3C00  }
0x8d: {  	s16 =	sadd.s32 $0x0, s22;
	[sflag:s15] =	ssyncset.done @!p0 $0x0  }
0x8e: {  	s23 =	sadd.s32 $0x780, s16;
	[sflag:s15] =	ssyncadd.s32 @!p0 $0xFFFFC400  }
0x8f: {  	[tilespmem:s0], [sflag:$0x2] =	stream.linear.gather [hbm4b:s23+s4], $0x3C00, $0x38;
	[tilespmem:$0x1BF00] =	vst v63  }
0x90: {  	_ = 	snop  }
0x91: {  	[tilespmem:s29], [sflag:$0x2] =	stream.linear.gather [hbm4b:s25+s4], $0x78, $0x38;
	[tilespmem:$0x1BF00] =	vst v63  }
0x92: {  	_ = 	snop  }
0x93: {  	[tilespmem:s3], [sflag:$0x2] =	stream.linear.gather [hbm4b:s24+s4], $0x78, $0x38;
	[tilespmem:$0x1BF00] =	vst v63  }
0x94: {  	_ = 	snop  }
0x95: {  	[spmem:s1] =	stream.indirect.scatter.add.f32 [tilespmem:s26], [sflag:$0x3], $0x80, s4, s8, $0xb8;
	[tilespmem:$0x1BF00] =	vst v63  }
0x96: {  	_ = 	snop  }
0x97: {  	[spmem:s2] =	stream.indirect.scatter.add.f32 [tilespmem:s30], [sflag:$0x6], $0x1, s4, s8, $0xb8;
	[tilespmem:$0x1BF00] =	vst v63  }
0x98: {  	_ =	swait.ge [sflag:s9], $0x78  }
0x99: {  	[sflag:s9] =	ssyncset.done $0x0  }
0x9a: {  	[sflag:s9] =	ssyncadd.s32 $0xFFFFFF88  }
0x9b: {  	_ =	swait.ge [sflag:s10], $0x3C00  }
0x9c: {  	[sflag:s10] =	ssyncset.done $0x0  }
0x9d: {  	[sflag:s10] =	ssyncadd.s32 $0xFFFFC400  }
0x9e: {  	_ =	swait.ge [sflag:s10], $0x78  }
0x9f: {  	[sflag:s10] =	ssyncset.done $0x0  }
0xa0: {  	[sflag:s10] =	ssyncadd.s32 $0xFFFFFF88  }
0xa1: {  	_ =	swait.ge [sflag:s10], $0x78  }
0xa2: {  	p0 =	por $0x0, $0x0;
	[sflag:s10] =	ssyncset.done $0x0  }
0xa3: {  	s15 =	simm.s32 @!p0 $0x3;
	[sflag:s10] =	ssyncadd.s32 $0xFFFFFF88  }
0xa4: {  	s16 =	sadd.s32 @!p0 $0x0, s22;
	_ =	swait.ge @!p0 [sflag:s15], $0x3C00  }
0xa5: {  	s17 =	sshrl.u32 @!p0 s18, $0x3;
	s19 =	simm.s32 @!p0 $0x200;
	[sflag:s15] =	ssyncset.done @!p0 $0x0  }
0xa6: {  	s16 =	sadd.s32 @!p0 $0xF00, s16;
	[sflag:s15] =	ssyncadd.s32 @!p0 $0xFFFFC400;
	s15 =	simm.s32 @!p0 $0x0  }
0xa7: {  	[tilespmem:s19], [sflag:$0x1] =	stream.linear.gather @!p0 [hbm4b:s16+s15], $0x3C00, $0x38;
	[tilespmem:$0x1BF00] =	vst v63  }
0xa8: {  	s16 =	sadd.s32 @!p0 s6, s17  }
0xa9: {  	[tilespmem:s15], [sflag:$0x1] =	stream.linear.gather @!p0 [hbm4b:s16+s15], $0x78, $0x38;
	[tilespmem:$0x1BF00] =	vst v63  }
0xaa: {  	s16 =	sadd.s32 @!p0 s5, s17;
	s17 =	simm.s32 @!p0 $0x100  }
0xab: {  	[tilespmem:s17], [sflag:$0x1] =	stream.linear.gather @!p0 [hbm4b:s16+s15], $0x78, $0x38;
	[tilespmem:$0x1BF00] =	vst v63  }
0xac: {  	_ = 	snop  }
0xad: {  	[spmem:s1] =	stream.indirect.scatter.add.f32 [tilespmem:s0], [sflag:$0x4], $0x80, s29, s8, $0xb8;
	[tilespmem:$0x1BF00] =	vst v63  }
0xae: {  	_ = 	snop  }
0xaf: {  	[spmem:s2] =	stream.indirect.scatter.add.f32 [tilespmem:s3], [sflag:$0x5], $0x1, s29, s8, $0xb8;
	[tilespmem:$0x1BF00] =	vst v63  }
0xb0: {  	s23 =	smov.u32 s18;
	s15 =	simm.s32 $0xF00;
	_ =	swait.ge [sflag:s28], $0x78  }
0xb1: {  	s16 =	sadd.s32 $0x1E, s24;
	s17 =	sadd.s32 $0x1E, s25;
	[sflag:s28] =	ssyncset.done $0x0  }
.LBB2_4:
0xb2: {  	[sflag:s28] =	ssyncadd.s32 $0xFFFFFF88  }
0xb3: {  	s23 =	sadd.s32 $0xF0, s23;
	s19 =	smov.u32 s15;
	s15 =	sadd.s32 $0xF00, s15  }
0xb4: {  	p0 =	sne.s32 s15, $0xE100  }
0xb5: {  	_ =	swait.ge [sflag:s31], $0x3C00  }
0xb6: {  	[sflag:s31] =	ssyncset.done $0x0  }
0xb7: {  	[sflag:s31] =	ssyncadd.s32 $0xFFFFC400  }
0xb8: {  	_ =	swait.ge [sflag:s31], $0x78  }
0xb9: {  	[sflag:s31] =	ssyncset.done $0x0  }
0xba: {  	[sflag:s31] =	ssyncadd.s32 $0xFFFFFF88  }
0xbb: {  	_ =	swait.ge [sflag:s31], $0x78  }
0xbc: {  	p1 =	seq.s32 s19, $0x0;
	[sflag:s31] =	ssyncset.done $0x0  }
0xbd: {  	s20 =	simm.s32 @!p1 $0x4;
	[sflag:s31] =	ssyncadd.s32 $0xFFFFFF88  }
0xbe: {  	_ =	swait.ge @!p1 [sflag:s20], $0x3C00  }
0xbf: {  	s21 =	sadd.s32 s19, s22;
	[sflag:s20] =	ssyncset.done @!p1 $0x0  }
0xc0: {  	[sflag:s20] =	ssyncadd.s32 @!p1 $0xFFFFC400;
	s20 =	sadd.s32 $0x780, s21  }
0xc1: {  	[tilespmem:s0], [sflag:$0x2] =	stream.linear.gather [hbm4b:s20+s4], $0x3C00, $0x38;
	[tilespmem:$0x1BF00] =	vst v63  }
0xc2: {  	_ = 	snop  }
0xc3: {  	[tilespmem:s29], [sflag:$0x2] =	stream.linear.gather [hbm4b:s17+s4], $0x78, $0x38;
	[tilespmem:$0x1BF00] =	vst v63  }
0xc4: {  	_ = 	snop  }
0xc5: {  	[tilespmem:s3], [sflag:$0x2] =	stream.linear.gather [hbm4b:s16+s4], $0x78, $0x38;
	[tilespmem:$0x1BF00] =	vst v63  }
0xc6: {  	_ = 	snop  }
0xc7: {  	[spmem:s1] =	stream.indirect.scatter.add.f32 [tilespmem:s26], [sflag:$0x3], $0x80, s4, s8, $0xb8;
	[tilespmem:$0x1BF00] =	vst v63  }
0xc8: {  	_ = 	snop  }
0xc9: {  	[spmem:s2] =	stream.indirect.scatter.add.f32 [tilespmem:s30], [sflag:$0x6], $0x1, s4, s8, $0xb8;
	[tilespmem:$0x1BF00] =	vst v63  }
0xca: {  	_ =	swait.ge [sflag:s9], $0x78  }
0xcb: {  	[sflag:s9] =	ssyncset.done $0x0  }
0xcc: {  	[sflag:s9] =	ssyncadd.s32 $0xFFFFFF88  }
0xcd: {  	_ =	swait.ge [sflag:s10], $0x3C00  }
0xce: {  	[sflag:s10] =	ssyncset.done $0x0  }
0xcf: {  	[sflag:s10] =	ssyncadd.s32 $0xFFFFC400  }
0xd0: {  	_ =	swait.ge [sflag:s10], $0x78  }
0xd1: {  	[sflag:s10] =	ssyncset.done $0x0  }
0xd2: {  	[sflag:s10] =	ssyncadd.s32 $0xFFFFFF88  }
0xd3: {  	_ =	swait.ge [sflag:s10], $0x78  }
0xd4: {  	p1 =	seq.s32 s19, $0xD200;
	[sflag:s10] =	ssyncset.done $0x0  }
0xd5: {  	s20 =	simm.s32 @!p1 $0x3;
	s19 =	sadd.s32 @!p1 s19, s22;
	[sflag:s10] =	ssyncadd.s32 $0xFFFFFF88  }
0xd6: {  	s21 =	sshrl.u32 @!p1 s23, $0x3;
	s19 =	sadd.s32 @!p1 $0xF00, s19;
	_ =	swait.ge @!p1 [sflag:s20], $0x3C00  }
0xd7: {  	s11 =	sadd.s32 @!p1 s6, s21;
	s21 =	sadd.s32 @!p1 s5, s21;
	[sflag:s20] =	ssyncset.done @!p1 $0x0  }
0xd8: {  	s13 =	simm.s32 @!p1 $0x200;
	[sflag:s20] =	ssyncadd.s32 @!p1 $0xFFFFC400;
	s20 =	simm.s32 @!p1 $0x0  }
0xd9: {  	[tilespmem:s13], [sflag:$0x1] =	stream.linear.gather @!p1 [hbm4b:s19+s20], $0x3C00, $0x38;
	[tilespmem:$0x1BF00] =	vst v63  }
0xda: {  	_ = 	snop  }
0xdb: {  	[tilespmem:s20], [sflag:$0x1] =	stream.linear.gather @!p1 [hbm4b:s11+s20], $0x78, $0x38;
	[tilespmem:$0x1BF00] =	vst v63  }
0xdc: {  	s11 =	simm.s32 @!p1 $0x100  }
0xdd: {  	[tilespmem:s11], [sflag:$0x1] =	stream.linear.gather @!p1 [hbm4b:s21+s20], $0x78, $0x38;
	[tilespmem:$0x1BF00] =	vst v63  }
0xde: {  	_ = 	snop  }
0xdf: {  	[spmem:s1] =	stream.indirect.scatter.add.f32 [tilespmem:s0], [sflag:$0x4], $0x80, s29, s8, $0xb8;
	[tilespmem:$0x1BF00] =	vst v63  }
.Ltmp1:
0xe0: {  	_ = 	snop;
	(pc) =	sbr.rel @p0 .LBB2_4-.Ltmp1, $4  }
0xe1: {  	_ = 	snop  }
0xe2: {  	[spmem:s2] =	stream.indirect.scatter.add.f32 [tilespmem:s3], [sflag:$0x5], $0x1, s29, s8, $0xb8;
	[tilespmem:$0x1BF00] =	vst v63  }
0xe3: {  	_ =	swait.ge [sflag:s28], $0x78  }
0xe4: {  	s17 =	sadd.s32 $0x1E, s17;
	s16 =	sadd.s32 $0x1E, s16;
	[sflag:s28] =	ssyncset.done $0x0  }
0xe5: {  	[sflag:s28] =	ssyncadd.s32 $0xFFFFFF88;
	s11 =	simm.s32 $0x3  }
0xe6: {  	_ =	swait.ge [sflag:s11], $0x3C00  }
0xe7: {  	[sflag:s11] =	ssyncset.done $0x0  }
0xe8: {  	s17 =	simm.s32 $0x4;
	[sflag:s11] =	ssyncadd.s32 $0xFFFFC400  }
0xe9: {  	_ =	swait.ge [sflag:s17], $0x3C00  }
0xea: {  	[sflag:s17] =	ssyncset.done $0x0  }
0xeb: {  	s19 =	stileid.u32;
	[sflag:s17] =	ssyncadd.s32 $0xFFFFC400  }
0xec: {  	s11 =	sshll.u32 s19, $0x6;
	[bflag:$0x0] =	sbarrier.arrive $0xFFFF  }
0xed: {  	s13 =	sshrl.u32 s12, $0x3;
	s11 =	sor.u32 $0x1C05, s11;
	s15 =	rddreg [dreg:$0x7]  }
0xee: {  	[hbm:s15], [sflag:s11] =	dma.local [spmem:s13], $0x2800  }
0xef: {  	_ =	swait.ge [sflag:s28], $0x2800  }
0xf0: {  	s20 =	sshrl.u32 s7, $0x3;
	s16 =	simm.s32 $0x20;
	[sflag:s28] =	ssyncset.done $0x0  }
0xf1: {  	s17 =	simm.s32 $0x10;
	s21 =	rddreg [dreg:$0x8];
	[sflag:s28] =	ssyncadd.s32 $0xFFFFD800  }
0xf2: {  	[hbm:s21@s16], [sflag:s11] =	dma.strided [spmem:s20@s17], $0x50, s31, $0x10   }
0xf3: {  	_ =	swait.ge [sflag:s28], $0x50  }
0xf4: {  	s14 =	sadd.s32 $0x1, s14;
	s23 =	rddreg [dreg:$0x9]  }
0xf5: {  	p0 =	sne.s32 s14, s23  }
.Ltmp2:
0xf6: {  	_ = 	snop;
	(pc) =	sbr.rel @p0 .LBB2_1-.Ltmp2, $3  }
0xf7: {  	_ =	sdelay $0x1  }
0xf8: {  	[sflag:s28] =	ssyncset.done $0x0  }
0xf9: {  	[sflag:s28] =	ssyncadd.s32 $0xFFFFFFB0  }
0xfa: {  	_ =	sfence.sel $0x180000  }
0xfb: {  	[bflag:$0x0] =	sbarrier.arrive $0xFFFF  }
0xfc: {  	_ =	strace $0x9000004A  }
0xfd: {  	s0 =	stileid.u32;
	[bflag:$0x2] =	sbarrier.arrive $0xFFFF  }
0xfe: {  	p0 =	sne.s32 s0, $0x0;
	s0 =	rddreg [dreg:$0x3]  }
0xff: {  	s0 =	sadd.s32 @!p0 $0x100000, s0  }
0x100: {  	[sflag:s0] =	ssyncadd.tile.s32 @!p0 $0x1;
	_ =	shalt  }
.Lfunc_end2:
_tile_overlayer_lowered:
.L_overlay_start_2:
0x101: {  	(tag) =	ssettag $0x2  }
0x102: {  	s0 =	rddreg [dreg:$0x0];
	s2 =	stileid.u32  }
0x103: {  	s1 =	rddreg [dreg:$0x1];
	p0 =	sne.s32 s2, $0x0  }
0x104: {  	s3 =	rddreg [dreg:$0x2];
	[bflag:$0x3] =	sbarrier.arrive $0xFFFF;
	s2 =	simm.s32 @!p0 $0x1C05  }
0x105: {  	[timem:s3], [sflag:s2] =	dma.local @!p0 [hbm:s0], s1  }
0x106: {  	s0 =	simm.s32 @!p0 $0x5  }
0x107: {  	_ =	swait.ge @!p0 [sflag:s0], s1  }
0x108: {  	s1 =	ssub.s32 @!p0 $0x0, s1;
	[sflag:s0] =	ssyncset.done @!p0 $0x0  }
0x109: {  	[sflag:s0] =	ssyncadd.s32 @!p0 s1  }
0x10a: {  	[bflag:$0x3] =	sbarrier.arrive $0xFFFF  }
0x10b: {  	_ =	shalt  }

// kernel: kernel.7.cloned.1.call-start
scs
__scs_entry_jumppad:
0x0: {  	(pc) =	sbr.rel $0x88, $3  }
0x1: {  	(tag) =	ssettag $0x0;
	lr =	simm.s32 $0x1  }
0x2: {  	[smem:$0x3F8D] =	sst lr;
	_ =	strace $0xD0000000  }
0x3: {  	_ = 	snop  }
0x4: {  	_ = 	snop  }
0x5: {  	_ = 	snop  }
0x6: {  	_ = 	snop  }
0x7: {  	_ = 	snop  }
__scs_overlays_trampoline_lowered:
0x8: {  	[smem:$0x3F9C] =	sst s0  }
0x9: {  	[smem:$0x3F9D] =	sst s1  }
0xa: {  	[smem:$0x3F9E] =	sst s2  }
0xb: {  	[smem:$0x3F9F] =	sst s3  }
0xc: {  	[smem:$0x3FA0] =	sst s4  }
0xd: {  	[smem:$0x3FA1] =	sst s5  }
0xe: {  	[smem:$0x3FA2] =	sst s6  }
0xf: {  	[smem:$0x3FA3] =	sst s7  }
0x10: {  	[smem:$0x3FA4] =	sst s8  }
0x11: {  	[smem:$0x3FA5] =	sst s9;
	s0 =	simm.s32 @!p0 $0x0  }
0x12: {  	s1 =	sld [smem:$0x3F8B];
	s0 =	simm.s32 @p0 $0x1  }
0x13: {  	[smem:$0x3FA6] =	sst s0;
	s0 =	simm.s32 @!p1 $0x0  }
0x14: {  	s2 =	sld [smem:$0x3F8A];
	s0 =	simm.s32 @p1 $0x1  }
0x15: {  	[smem:$0x3FA7] =	sst s0;
	s0 =	simm.s32 @!p2 $0x0  }
0x16: {  	s3 =	sld [smem:$0x3FDB];
	s0 =	simm.s32 @p2 $0x1  }
0x17: {  	s4 =	simm.s32 $0x1BF5;
	[smem:$0x3FA9] =	sst s0  }
0x18: {  	s0 =	sld [smem:$0x3F8C];
	_ =	swait.ge [sflag:s4], $0x0  }
0x19: {  	s7 =	sld [smem:$0x3F8D]  }
0x1a: {  	s8 =	sadd.s32 $0xFFFFE003, lr  }
0x1b: {  	s9 =	sadd.s32 $0xFFFFFEF7, lr;
	s5 =	simm.s32 $0xFFFFFFFF;
	p2 =	slt.u32 s8, $0xFFFFF086  }
0x1c: {  	p1 =	slt.u32 s9, $0xF7A;
	s5 =	simm.s32 @!p2 $0x0  }
0x1d: {  	s5 =	simm.s32 @p1 $0x1;
	p0 =	seq.s32 s7, s2  }
0x1e: {  	s7 =	smul.u32 @!p0 $0xF7A, s2;
	p2 =	seq.s32 @!p0 s5, $0x0  }
0x1f: {  	s9 =	smul.u32 $0xF7A, s1;
	s8 =	simm.s32 @!p0 $0x1BF5;
	p2 =	por !p2, p0  }
0x20: {  	[sflag:s8] =	ssyncset.s32 @!p0 $0xFFFFF086;
	s6 =	sadd.s32 @!p0 s3, s7;
	s7 =	simm.s32 @!p0 $0x108  }
0x21: {  	s3 =	sadd.s32 s3, s9;
	s6 =	sadd.s32 @!p0 $0x88, s6;
	s7 =	simm.s32 @p2 $0x1082  }
0x22: {  	[simem:s7], [sflag:s8] =	dma.local @!p0 [hbm:s6], $0xF7A  }
0x23: {  	s9 =	sor.u32 $0xD0000000, s2;
	s6 =	simm.s32 $0x108;
	_ =	swait.ge @!p0 [sflag:s8], $0x0  }
0x24: {  	s3 =	sadd.s32 $0x88, s3;
	s6 =	simm.s32 @!p1 $0x1082;
	[sflag:s4] =	ssyncset.s32 $0xFFFFF086  }
0x25: {  	[simem:s6], [sflag:s4] =	dma.local [hbm:s3], $0xF7A  }
0x26: {  	[smem:$0x3F8D] =	sst s1;
	(tag) =	ssettag s2;
	_ =	strace s9  }
0x27: {  	s1 =	sld [smem:$0x3F9D]  }
0x28: {  	s2 =	sld [smem:$0x3F9E]  }
0x29: {  	s4 =	sld [smem:$0x3FA0]  }
0x2a: {  	p0 =	seq.s32 s5, $0x0;
	s5 =	sld [smem:$0x3FA1]  }
0x2b: {  	s6 =	sld [smem:$0x3FA2]  }
0x2c: {  	s7 =	sld [smem:$0x3FA3]  }
0x2d: {  	s3 =	simm.s32 $0x108;
	s8 =	sld [smem:$0x3FA4]  }
0x2e: {  	s3 =	simm.s32 @!p0 $0x1082;
	s9 =	sld [smem:$0x3FA5]  }
0x2f: {  	lr =	sadd.s32 s0, s3;
	s0 =	sld [smem:$0x3F9C]  }
0x30: {  	s3 =	sld [smem:$0x3F9F]  }
0x31: {  	[smem:$0x3FA8] =	sst s10  }
0x32: {  	s10 =	sld [smem:$0x3FA6];
	_ =	sdelay $0x3  }
0x33: {  	p0 =	seq.s32 s10, $0x1;
	s10 =	sld [smem:$0x3FA8];
	_ =	sdelay $0x3  }
0x34: {  	[smem:$0x3FA8] =	sst s10  }
0x35: {  	s10 =	sld [smem:$0x3FA7];
	_ =	sdelay $0x3  }
0x36: {  	p1 =	seq.s32 s10, $0x1;
	s10 =	sld [smem:$0x3FA8];
	_ =	sdelay $0x3  }
0x37: {  	[smem:$0x3FA8] =	sst s10  }
0x38: {  	s10 =	sld [smem:$0x3FA9]  }
0x39: {  	_ = 	snop;
	(pc) =	sbr.ind lr, $3  }
0x3a: {  	_ = 	snop  }
0x3b: {  	_ = 	snop  }
0x3c: {  	p2 =	seq.s32 s10, $0x1;
	s10 =	sld [smem:$0x3FA8]  }
0x3d: {  	_ =	shalt  }
0x3e: {  	_ =	shalt  }
0x3f: {  	_ =	shalt  }
0x40: {  	_ =	shalt  }
0x41: {  	_ =	shalt  }
0x42: {  	_ =	shalt  }
0x43: {  	_ =	shalt  }
0x44: {  	_ =	shalt  }
0x45: {  	_ =	shalt  }
0x46: {  	_ =	shalt  }
0x47: {  	_ =	shalt  }
0x48: {  	_ =	shalt  }
0x49: {  	_ =	shalt  }
0x4a: {  	_ =	shalt  }
0x4b: {  	_ =	shalt  }
0x4c: {  	_ =	shalt  }
0x4d: {  	_ =	shalt  }
0x4e: {  	_ =	shalt  }
0x4f: {  	_ =	shalt  }
0x50: {  	_ =	shalt  }
0x51: {  	_ =	shalt  }
0x52: {  	_ =	shalt  }
0x53: {  	_ =	shalt  }
0x54: {  	_ =	shalt  }
0x55: {  	_ =	shalt  }
0x56: {  	_ =	shalt  }
0x57: {  	_ =	shalt  }
0x58: {  	_ =	shalt  }
0x59: {  	_ =	shalt  }
0x5a: {  	_ =	shalt  }
0x5b: {  	_ =	shalt  }
0x5c: {  	_ =	shalt  }
0x5d: {  	_ =	shalt  }
0x5e: {  	_ =	shalt  }
0x5f: {  	_ =	shalt  }
0x60: {  	_ =	shalt  }
0x61: {  	_ =	shalt  }
0x62: {  	_ =	shalt  }
0x63: {  	_ =	shalt  }
0x64: {  	_ =	shalt  }
0x65: {  	_ =	shalt  }
0x66: {  	_ =	shalt  }
0x67: {  	_ =	shalt  }
0x68: {  	_ =	shalt  }
0x69: {  	_ =	shalt  }
0x6a: {  	_ =	shalt  }
0x6b: {  	_ =	shalt  }
0x6c: {  	_ =	shalt  }
0x6d: {  	_ =	shalt  }
0x6e: {  	_ =	shalt  }
0x6f: {  	_ =	shalt  }
0x70: {  	_ =	shalt  }
0x71: {  	_ =	shalt  }
0x72: {  	_ =	shalt  }
0x73: {  	_ =	shalt  }
0x74: {  	_ =	shalt  }
0x75: {  	_ =	shalt  }
0x76: {  	_ =	shalt  }
0x77: {  	_ =	shalt  }
0x78: {  	_ =	shalt  }
0x79: {  	_ =	shalt  }
0x7a: {  	_ =	shalt  }
0x7b: {  	_ =	shalt  }
0x7c: {  	_ =	shalt  }
0x7d: {  	_ =	shalt  }
0x7e: {  	_ =	shalt  }
0x7f: {  	_ =	shalt  }
0x80: {  	_ =	shalt  }
0x81: {  	_ =	shalt  }
0x82: {  	_ =	shalt  }
0x83: {  	_ =	shalt  }
0x84: {  	_ =	shalt  }
0x85: {  	_ =	shalt  }
0x86: {  	_ =	shalt  }
0x87: {  	_ =	shalt  }
.Lfunc_end0:
.L_simem_size_0:
called_computation_lowered:
.L_overlay_start_0:
0x88: {  	s2 =	sld [smem:$0x3FD9]  }
0x89: {  	s3 =	sld [smem:$0x3FFE];
	_ =	sdelay $0x1  }
0x8a: {  	s1 =	srdreg.scid  }
0x8b: {  	s0 =	sand.u32 $0x1, s1  }
0x8c: {  	s16 =	sshll.u32 s0, $0xA;
	s2 =	sadd.s32 s3, s2  }
0x8d: {  	s2 =	sadd.s32 s2, s16  }
0x8e: {  	[smem:$0x3FB4] =	sst s2  }
0x8f: {  	_ = 	snop  }
0x90: {  	(tm) =	ssettm $0x1  }
0x91: {  	s17 =	sld [smem:$0x3FFB];
	_ =	sdelay $0x3  }
0x92: {  	_ =	strace s17  }
0x93: {  	s2 =	sld [smem:$0x3FFC];
	_ =	sdelay $0x3  }
0x94: {  	_ =	strace s2  }
0x95: {  	s2 =	sld [smem:$0x3FFD];
	_ =	sdelay $0x3  }
0x96: {  	_ =	strace s2  }
0x97: {  	_ =	strace $0x8FFFFFFF  }
0x98: {  	s18 =	sld [smem:$0x3FDB];
	_ =	sdelay $0x1  }
0x99: {  	s19 =	simm.s32 $_scs_section_size  }
0x9a: {  	s4 =	simm.s32 $_size__tile_overlayer_lowered;
	s5 =	simm.s32 $_tile_overlayer_lowered  }
0x9b: {  	s22 =	simm.s32 $0x1BFF;
	s21 =	sshll.u32 s5, $0x1;
	s2 =	sadd.s32 s19, s18  }
0x9c: {  	s6 =	simm.s32 $0x0;
	s20 =	sshll.u32 s4, $0x1;
	s4 =	sadd.s32 s21, s2  }
0x9d: {  	[timem:s6], [sflag:s22] =	dma.local [hbm:s4], s20  }
0x9e: {  	_ =	swait.ge [sflag:s22], s20  }
0x9f: {  	s3 =	ssub.s32 $0x0, s20;
	[sflag:s22] =	ssyncset.done $0x0  }
0xa0: {  	[sflag:s22] =	ssyncadd.s32 s3;
	_ =	sdelay $0x1  }
0xa1: {  	s23 =	simm.s32 $0x1B8B  }
0xa2: {  	_ =	swait.ge [sflag:s23], $0x1  }
0xa3: {  	[sflag:s23] =	ssyncset.done $0x0  }
0xa4: {  	s25 =	simm.s32 $0x1B8E;
	s24 =	sld [smem:$0x3FFE];
	[sflag:s23] =	ssyncadd.s32 $0xFFFFFFFF  }
0xa5: {  	s26 =	simm.s32 $execute0_lowered;
	[smem:$0x3FD2] =	sst s25  }
0xa6: {  	s4 =	sshll.u32 s26, $0x1;
	_ =	strace $0x80000046;
	[dreg:$0x1] =	wrdreg $0xFFFFFFFF  }
0xa7: {  	s28 =	simm.s32 $_size_execute0_lowered;
	s2 =	sadd.s32 s2, s4;
	[dreg:$0x0] =	wrdreg $0x0  }
0xa8: {  	s4 =	sshll.u32 s28, $0x1;
	[dreg:$0x2] =	wrdreg s2  }
0xa9: {  	[dreg:$0x3] =	wrdreg s4  }
0xaa: {  	[dreg:$0x4] =	wrdreg $0xC0  }
0xab: {  	_ =	task [dreg:s6], $0x5FFFF  }
0xac: {  	[dreg:$0x1] =	wrdreg $0xFFFFFFFF  }
0xad: {  	[dreg:$0x0] =	wrdreg $0x60  }
0xae: {  	[dreg:$0x2] =	wrdreg s24  }
0xaf: {  	[dreg:$0x3] =	wrdreg $0x84800  }
0xb0: {  	[dreg:$0x4] =	wrdreg $0x1C4800  }
0xb1: {  	[dreg:$0x5] =	wrdreg $0x9  }
0xb2: {  	_ =	task.clear_ibuf [dreg:s6], $0x6FFFF;
	_ =	strace $0x90000046  }
0xb3: {  	s29 =	simm.s32 $0x9;
	_ =	strace $0x80000048  }
0xb4: {  	_ =	swait.ge [sflag:s29], $0x1  }
0xb5: {  	[sflag:s29] =	ssyncadd.s32 $0xFFFFFFFF  }
0xb6: {  	_ =	strace $0x90000048  }
0xb7: {  	_ =	sfence  }
0xb8: {  	s30 =	sld [smem:$0x0];
	_ =	sdelay $0x2  }
0xb9: {  	s31 =	sshll.u32 s1, $0xD;
	s1 =	sshrl.u32 s1, $0x2  }
0xba: {  	s3 =	sand.u32 $0x4000, s31;
	s1 =	sadd.s32 s1, s30  }
0xbb: {  	s0 =	sor.u32 s3, s0;
	s1 =	sshll.u32 s1, $0x11  }
0xbc: {  	s0 =	sor.u32 s1, s0  }
0xbd: {  	s0 =	sadd.s32 $0x8F2B, s0  }
0xbe: {  	[sflag:s0] =	ssyncadd.remote.s32 $0x1  }
0xbf: {  	_ =	sfence.sel $0xFFFF  }
0xc0: {  	[dreg:$0x0] =	wrdreg $0xFFFFFFFF;
	(pc) =	sbr.abs _section_cstart, $3  }
0xc1: {  	[dreg:$0x1] =	wrdreg $0xFFFFFFFF  }
0xc2: {  	_ =	task.clear_ibuf [dreg:s6], $0x2FFFF;
	_ =	strace $0x9FFFFFFF  }
0xc3: {  	(tm) =	ssettm $0x7FFFFFFF  }
tec
execute0_lowered:
.L_overlay_start_1:
0x0: {  	(tag) =	ssettag $0x1  }
0x1: {  	s0 =	rddreg [dreg:$0x0]  }
0x2: {  	s2 =	rddreg [dreg:$0x1];
	s16 =	stileid.u32  }
0x3: {  	s1 =	srdreg.scid;
	s6 =	smul.u32 $0x14000, s16  }
0x4: {  	s3 =	rddreg [dreg:$0x2];
	s8 =	smul.u32 $0x500, s16  }
0x5: {  	s4 =	simm.s32 $0x0;
	s28 =	simm.s32 $0x1;
	s11 =	smul.u32 $0x50000, s16  }
0x6: {  	s29 =	simm.s32 $0x4200;
	s30 =	simm.s32 $0x80;
	s12 =	smul.u32 $0xA00, s16  }
0x7: {  	s31 =	simm.s32 $0x180;
	s1 =	sand.u32 $0x1, s1;
	s18 =	smul.u32 $0x1900, s16  }
0x8: {  	[smem:$0x7FF] =	sst s4;
	s9 =	sadd.s32 $0x324800, s0;
	s22 =	smul.u32 $0x19000, s16  }
0x9: {  	s5 =	smul.u32 $0x140000, s1;
	_ =	strace $0x80000047;
	s24 =	sshll.u32 s1, $0x7  }
0xa: {  	s25 =	sshll.u32 s1, $0x4;
	s26 =	ssub.s32 $0x2, s1;
	s17 =	smul.u32 $0x19000, s1  }
0xb: {  	s1 =	smul.u32 $0x190000, s1;
	s14 =	sshrl.u32 s26, $0x1;
	s11 =	sshrl.u32 s11, $0x2  }
0xc: {  	s6 =	sadd.s32 s6, s5;
	s5 =	sadd.s32 $0x4800, s0;
	s14 =	ssub.s32 s26, s14  }
0xd: {  	s1 =	sadd.s32 s1, s9;
	s7 =	sshrl.u32 s6, $0x3;
	s19 =	smax.u32 s14, $0x1  }
0xe: {  	s10 =	sadd.s32 s7, s0;
	s7 =	sor.u32 s24, s8;
	s8 =	sor.u32 s16, s25  }
0xf: {  	s6 =	sadd.s32 $0xAC00, s0;
	[dreg:$0x9] =	wrdreg s19;
	s13 =	smul.u32 $0x1900, s8  }
0x10: {  	s19 =	sadd.s32 s22, s1;
	s7 =	sshrl.u32 s7, $0x3;
	s15 =	smul.u32 $0x19000, s8  }
0x11: {  	s10 =	sadd.s32 $0x11A00, s10;
	s0 =	sadd.s32 s7, s0;
	s7 =	sadd.s32 s11, s2  }
0x12: {  	s11 =	sshrl.u32 s12, $0x2;
	[dreg:$0x7] =	wrdreg s10;
	s12 =	sadd.s32 s9, s15  }
0x13: {  	s10 =	simm.s32 $0x0;
	s0 =	sadd.s32 $0x11000, s0;
	[dreg:$0x4] =	wrdreg s12  }
0x14: {  	s8 =	sadd.s32 s11, s3;
	s20 =	sadd.s32 $0x4000, s7;
	[dreg:$0x8] =	wrdreg s0  }
0x15: {  	s13 =	sshrl.u32 s13, $0x3;
	s21 =	sadd.s32 $0x8000, s7;
	[dreg:$0xa] =	wrdreg s20  }
0x16: {  	s23 =	sadd.s32 $0xC000, s7;
	s25 =	sadd.s32 $0x10000, s7;
	[dreg:$0xb] =	wrdreg s21  }
0x17: {  	s9 =	simm.s32 $0x4;
	s15 =	sadd.s32 s6, s13;
	[dreg:$0xc] =	wrdreg s23  }
0x18: {  	s11 =	sadd.s32 s5, s13;
	s0 =	sadd.s32 s18, s17;
	[dreg:$0xd] =	wrdreg s25  }
0x19: {  	s23 =	simm.s32 $0x200;
	s25 =	simm.s32 $0x2;
	[dreg:$0x5] =	wrdreg s15  }
0x1a: {  	[dreg:$0x6] =	wrdreg s11;
	s24 =	sor.u32 $0x80, s0;
	s14 =	sadd.s32 $0x100, s0  }
0x1b: {  	s0 =	simm.s32 $0x6;
	s26 =	sshrl.u32 s24, $0x3;
	s24 =	simm.s32 $0x5  }
0x1c: {  	v0 =	vimm.f32 $0.0e+00;
	s21 =	sadd.s32 s26, s5;
	s22 =	sadd.s32 s26, s6;
	s26 =	simm.s32 $0x100  }
.LBB2_1:
0x1d: {  	s11 =	simm.s32 $0x0;
	s12 =	simm.s32 $0x200  }
.LBB2_2:
0x1e: {  	p0 =	sne.s32 s12, $0xFE00;
	[tilespmem:s11+$0x270] =	vst v0  }
0x1f: {  	[tilespmem:s11+$0x200] =	vst v0  }
0x20: {  	[tilespmem:s11+$0x210] =	vst v0  }
.Ltmp0:
0x21: {  	[tilespmem:s11+$0x220] =	vst v0;
	(pc) =	sbr.rel @p0 .LBB2_2-.Ltmp0, $4  }
0x22: {  	[tilespmem:s11+$0x230] =	vst v0  }
0x23: {  	[tilespmem:s11+$0x240] =	vst v0  }
0x24: {  	[tilespmem:s11+$0x250] =	vst v0  }
0x25: {  	[tilespmem:s11+$0x260] =	vst v0;
	s11 =	sshra.s32 s12, $0x2;
	s12 =	sadd.s32 $0x200, s12  }
0x26: {  	[tilespmem:s11+$0x270] =	vst v0  }
0x27: {  	[tilespmem:s11+$0x200] =	vst v0  }
0x28: {  	[tilespmem:s11+$0x210] =	vst v0  }
0x29: {  	[tilespmem:s11+$0x220] =	vst v0  }
0x2a: {  	[tilespmem:s11+$0x230] =	vst v0  }
0x2b: {  	[tilespmem:s11+$0x240] =	vst v0  }
0x2c: {  	[tilespmem:s11+$0x250] =	vst v0  }
0x2d: {  	[tilespmem:s11+$0x260] =	vst v0  }
0x2e: {  	[tilespmem:$0x8200] =	vst v0  }
0x2f: {  	[tilespmem:$0x8210] =	vst v0  }
0x30: {  	[tilespmem:$0x8220] =	vst v0  }
0x31: {  	[tilespmem:$0x8230] =	vst v0  }
0x32: {  	[tilespmem:$0x8240] =	vst v0  }
0x33: {  	[tilespmem:$0x8250] =	vst v0  }
0x34: {  	[tilespmem:$0x8260] =	vst v0  }
0x35: {  	[tilespmem:$0x8270] =	vst v0  }
0x36: {  	[tilespmem:$0x8280] =	vst v0  }
0x37: {  	[tilespmem:$0x8290] =	vst v0  }
0x38: {  	[tilespmem:$0x82A0] =	vst v0  }
0x39: {  	[tilespmem:$0x82B0] =	vst v0  }
0x3a: {  	[tilespmem:$0x82C0] =	vst v0  }
0x3b: {  	[tilespmem:$0x82D0] =	vst v0  }
0x3c: {  	[tilespmem:$0x82E0] =	vst v0  }
0x3d: {  	[tilespmem:$0x82F0] =	vst v0  }
0x3e: {  	[tilespmem:$0x8300] =	vst v0  }
0x3f: {  	[tilespmem:$0x8310] =	vst v0  }
0x40: {  	[tilespmem:$0x8320] =	vst v0  }
0x41: {  	[tilespmem:$0x8330] =	vst v0  }
0x42: {  	[tilespmem:$0x8340] =	vst v0  }
0x43: {  	[tilespmem:$0x8350] =	vst v0  }
0x44: {  	[tilespmem:$0x8360] =	vst v0  }
0x45: {  	[tilespmem:$0x8370] =	vst v0  }
0x46: {  	[tilespmem:$0x8380] =	vst v0  }
0x47: {  	[tilespmem:$0x8390] =	vst v0  }
0x48: {  	[tilespmem:$0x83A0] =	vst v0  }
0x49: {  	[tilespmem:$0x83B0] =	vst v0  }
0x4a: {  	[tilespmem:$0x83C0] =	vst v0  }
0x4b: {  	[tilespmem:$0x83D0] =	vst v0  }
0x4c: {  	[tilespmem:$0x83E0] =	vst v0  }
0x4d: {  	[tilespmem:$0x83F0] =	vst v0  }
0x4e: {  	[tilespmem:$0x8400] =	vst v0  }
0x4f: {  	[tilespmem:$0x8410] =	vst v0  }
0x50: {  	[tilespmem:$0x8420] =	vst v0  }
0x51: {  	[tilespmem:$0x8430] =	vst v0  }
0x52: {  	[tilespmem:$0x8440] =	vst v0  }
0x53: {  	[tilespmem:$0x8450] =	vst v0  }
0x54: {  	[tilespmem:$0x8460] =	vst v0  }
0x55: {  	[tilespmem:$0x8470] =	vst v0  }
0x56: {  	[spmem:s7] =	stream.linear.scatter [tilespmem:s23], [sflag:$0x5], $0x4000, $0x38;
	[tilespmem:$0x1C700] =	vst v63  }
0x57: {  	_ =	swait.ge [sflag:s24], $0x4000  }
0x58: {  	[sflag:s24] =	ssyncset.done $0x0  }
0x59: {  	s1 =	rddreg [dreg:$0xa];
	[sflag:s24] =	ssyncadd.s32 $0xFFFFC000  }
0x5a: {  	[spmem:s1] =	stream.linear.scatter [tilespmem:s23], [sflag:$0x5], $0x4000, $0x38;
	[tilespmem:$0x1C700] =	vst v63  }
0x5b: {  	_ =	swait.ge [sflag:s24], $0x4000  }
0x5c: {  	[sflag:s24] =	ssyncset.done $0x0  }
0x5d: {  	s20 =	rddreg [dreg:$0xb];
	[sflag:s24] =	ssyncadd.s32 $0xFFFFC000  }
0x5e: {  	[spmem:s20] =	stream.linear.scatter [tilespmem:s23], [sflag:$0x5], $0x4000, $0x38;
	[tilespmem:$0x1C700] =	vst v63  }
0x5f: {  	_ =	swait.ge [sflag:s24], $0x4000  }
0x60: {  	[sflag:s24] =	ssyncset.done $0x0  }
0x61: {  	s11 =	rddreg [dreg:$0xc];
	[sflag:s24] =	ssyncadd.s32 $0xFFFFC000  }
0x62: {  	[spmem:s11] =	stream.linear.scatter [tilespmem:s23], [sflag:$0x5], $0x4000, $0x38;
	[tilespmem:$0x1C700] =	vst v63  }
0x63: {  	_ =	swait.ge [sflag:s24], $0x4000  }
0x64: {  	[sflag:s24] =	ssyncset.done $0x0  }
0x65: {  	s12 =	rddreg [dreg:$0xd];
	[sflag:s24] =	ssyncadd.s32 $0xFFFFC000  }
0x66: {  	[spmem:s12] =	stream.linear.scatter [tilespmem:s23], [sflag:$0x5], $0x4000, $0x38;
	[tilespmem:$0x1C700] =	vst v63  }
0x67: {  	_ =	swait.ge [sflag:s24], $0x4000  }
0x68: {  	[sflag:s24] =	ssyncset.done $0x0  }
0x69: {  	s13 =	simm.s32 $0x8200;
	[sflag:s24] =	ssyncadd.s32 $0xFFFFC000  }
0x6a: {  	[spmem:s8] =	stream.linear.scatter [tilespmem:s13], [sflag:$0x5], $0x280, $0x38;
	[tilespmem:$0x1C700] =	vst v63  }
0x6b: {  	_ =	swait.ge [sflag:s24], $0x280  }
0x6c: {  	[sflag:s24] =	ssyncset.done $0x0  }
0x6d: {  	[sflag:s24] =	ssyncadd.s32 $0xFFFFFD80  }
0x6e: {  	[bflag:$0x0] =	sbarrier.arrive $0xFFFF  }
0x6f: {  	s15 =	simm.s32 $0x0;
	s16 =	rddreg [dreg:$0x4]  }
0x70: {  	[tilespmem:s23], [sflag:$0x1] =	stream.linear.gather [hbm4b:s16+s15], $0x4000, $0x38;
	[tilespmem:$0x1C700] =	vst v63  }
0x71: {  	s17 =	rddreg [dreg:$0x5]  }
0x72: {  	[tilespmem:s15], [sflag:$0x1] =	stream.linear.gather [hbm4b:s17+s15], $0x80, $0x38;
	[tilespmem:$0x1C700] =	vst v63  }
0x73: {  	s18 =	rddreg [dreg:$0x6]  }
0x74: {  	[tilespmem:s26], [sflag:$0x1] =	stream.linear.gather [hbm4b:s18+s15], $0x80, $0x38;
	[tilespmem:$0x1C700] =	vst v63  }
0x75: {  	_ =	swait.ge [sflag:s28], $0x4000  }
0x76: {  	[sflag:s28] =	ssyncset.done $0x0  }
0x77: {  	[sflag:s28] =	ssyncadd.s32 $0xFFFFC000  }
0x78: {  	_ =	swait.ge [sflag:s28], $0x80  }
0x79: {  	[sflag:s28] =	ssyncset.done $0x0  }
0x7a: {  	[sflag:s28] =	ssyncadd.s32 $0xFFFFFF80  }
0x7b: {  	_ =	swait.ge [sflag:s28], $0x80  }
0x7c: {  	p0 =	por $0x1, $0x1;
	[sflag:s28] =	ssyncset.done $0x0  }
0x7d: {  	s11 =	simm.s32 @!p0 $0x4;
	[sflag:s28] =	ssyncadd.s32 $0xFFFFFF80  }
0x7e: {  	_ =	swait.ge @!p0 [sflag:s11], $0x4000  }
0x7f: {  	s12 =	sadd.s32 $0x0, s19;
	[sflag:s11] =	ssyncset.done @!p0 $0x0  }
0x80: {  	s20 =	sadd.s32 $0x800, s12;
	[sflag:s11] =	ssyncadd.s32 @!p0 $0xFFFFC000  }
0x81: {  	[tilespmem:s29], [sflag:$0x2] =	stream.linear.gather [hbm4b:s20+s4], $0x4000, $0x38;
	[tilespmem:$0x1C700] =	vst v63  }
0x82: {  	_ = 	snop  }
0x83: {  	[tilespmem:s30], [sflag:$0x2] =	stream.linear.gather [hbm4b:s22+s4], $0x80, $0x38;
	[tilespmem:$0x1C700] =	vst v63  }
0x84: {  	_ = 	snop  }
0x85: {  	[tilespmem:s31], [sflag:$0x2] =	stream.linear.gather [hbm4b:s21+s4], $0x80, $0x38;
	[tilespmem:$0x1C700] =	vst v63  }
0x86: {  	_ = 	snop  }
0x87: {  	[spmem:s2] =	stream.indirect.scatter.add.f32 [tilespmem:s23], [sflag:$0x3], $0x80, s4, s30, $0xb8;
	[tilespmem:$0x1C700] =	vst v63  }
0x88: {  	_ = 	snop  }
0x89: {  	[spmem:s3] =	stream.indirect.scatter.add.f32 [tilespmem:s26], [sflag:$0x6], $0x1, s4, s30, $0xb8;
	[tilespmem:$0x1C700] =	vst v63  }
0x8a: {  	_ =	swait.ge [sflag:s0], $0x80  }
0x8b: {  	[sflag:s0] =	ssyncset.done $0x0  }
0x8c: {  	[sflag:s0] =	ssyncadd.s32 $0xFFFFFF80  }
0x8d: {  	_ =	swait.ge [sflag:s25], $0x4000  }
0x8e: {  	[sflag:s25] =	ssyncset.done $0x0  }
0x8f: {  	[sflag:s25] =	ssyncadd.s32 $0xFFFFC000  }
0x90: {  	_ =	swait.ge [sflag:s25], $0x80  }
0x91: {  	[sflag:s25] =	ssyncset.done $0x0  }
0x92: {  	[sflag:s25] =	ssyncadd.s32 $0xFFFFFF80  }
0x93: {  	_ =	swait.ge [sflag:s25], $0x80  }
0x94: {  	p0 =	por $0x0, $0x0;
	[sflag:s25] =	ssyncset.done $0x0  }
0x95: {  	s11 =	simm.s32 @!p0 $0x3;
	[sflag:s25] =	ssyncadd.s32 $0xFFFFFF80  }
0x96: {  	s12 =	sadd.s32 @!p0 $0x0, s19;
	_ =	swait.ge @!p0 [sflag:s11], $0x4000  }
0x97: {  	s13 =	sshrl.u32 @!p0 s14, $0x3;
	s15 =	simm.s32 @!p0 $0x200;
	[sflag:s11] =	ssyncset.done @!p0 $0x0  }
0x98: {  	s12 =	sadd.s32 @!p0 $0x1000, s12;
	[sflag:s11] =	ssyncadd.s32 @!p0 $0xFFFFC000;
	s11 =	simm.s32 @!p0 $0x0  }
0x99: {  	[tilespmem:s15], [sflag:$0x1] =	stream.linear.gather @!p0 [hbm4b:s12+s11], $0x4000, $0x38;
	[tilespmem:$0x1C700] =	vst v63  }
0x9a: {  	s12 =	sadd.s32 @!p0 s6, s13  }
0x9b: {  	[tilespmem:s11], [sflag:$0x1] =	stream.linear.gather @!p0 [hbm4b:s12+s11], $0x80, $0x38;
	[tilespmem:$0x1C700] =	vst v63  }
0x9c: {  	s12 =	sadd.s32 @!p0 s5, s13;
	s13 =	simm.s32 @!p0 $0x100  }
0x9d: {  	[tilespmem:s13], [sflag:$0x1] =	stream.linear.gather @!p0 [hbm4b:s12+s11], $0x80, $0x38;
	[tilespmem:$0x1C700] =	vst v63  }
0x9e: {  	_ = 	snop  }
0x9f: {  	[spmem:s2] =	stream.indirect.scatter.add.f32 [tilespmem:s29], [sflag:$0x4], $0x80, s30, s30, $0xb8;
	[tilespmem:$0x1C700] =	vst v63  }
0xa0: {  	_ = 	snop  }
0xa1: {  	[spmem:s3] =	stream.indirect.scatter.add.f32 [tilespmem:s31], [sflag:$0x5], $0x1, s30, s30, $0xb8;
	[tilespmem:$0x1C700] =	vst v63  }
0xa2: {  	s20 =	smov.u32 s14;
	s11 =	simm.s32 $0x1000;
	_ =	swait.ge [sflag:s24], $0x80  }
0xa3: {  	s12 =	sadd.s32 $0x20, s21;
	s13 =	sadd.s32 $0x20, s22;
	[sflag:s24] =	ssyncset.done $0x0  }
.LBB2_4:
0xa4: {  	[sflag:s24] =	ssyncadd.s32 $0xFFFFFF80  }
0xa5: {  	s20 =	sadd.s32 $0x100, s20;
	s15 =	smov.u32 s11;
	s11 =	sadd.s32 $0x1000, s11  }
0xa6: {  	p0 =	sne.s32 s11, $0x19000  }
0xa7: {  	_ =	swait.ge [sflag:s28], $0x4000  }
0xa8: {  	[sflag:s28] =	ssyncset.done $0x0  }
0xa9: {  	[sflag:s28] =	ssyncadd.s32 $0xFFFFC000  }
0xaa: {  	_ =	swait.ge [sflag:s28], $0x80  }
0xab: {  	[sflag:s28] =	ssyncset.done $0x0  }
0xac: {  	[sflag:s28] =	ssyncadd.s32 $0xFFFFFF80  }
0xad: {  	_ =	swait.ge [sflag:s28], $0x80  }
0xae: {  	p1 =	seq.s32 s15, $0x0;
	[sflag:s28] =	ssyncset.done $0x0  }
0xaf: {  	s16 =	simm.s32 @!p1 $0x4;
	[sflag:s28] =	ssyncadd.s32 $0xFFFFFF80  }
0xb0: {  	_ =	swait.ge @!p1 [sflag:s16], $0x4000  }
0xb1: {  	s17 =	sadd.s32 s15, s19;
	[sflag:s16] =	ssyncset.done @!p1 $0x0  }
0xb2: {  	[sflag:s16] =	ssyncadd.s32 @!p1 $0xFFFFC000;
	s16 =	sadd.s32 $0x800, s17  }
0xb3: {  	[tilespmem:s29], [sflag:$0x2] =	stream.linear.gather [hbm4b:s16+s4], $0x4000, $0x38;
	[tilespmem:$0x1C700] =	vst v63  }
0xb4: {  	_ = 	snop  }
0xb5: {  	[tilespmem:s30], [sflag:$0x2] =	stream.linear.gather [hbm4b:s13+s4], $0x80, $0x38;
	[tilespmem:$0x1C700] =	vst v63  }
0xb6: {  	_ = 	snop  }
0xb7: {  	[tilespmem:s31], [sflag:$0x2] =	stream.linear.gather [hbm4b:s12+s4], $0x80, $0x38;
	[tilespmem:$0x1C700] =	vst v63  }
0xb8: {  	_ = 	snop  }
0xb9: {  	[spmem:s2] =	stream.indirect.scatter.add.f32 [tilespmem:s23], [sflag:$0x3], $0x80, s4, s30, $0xb8;
	[tilespmem:$0x1C700] =	vst v63  }
0xba: {  	_ = 	snop  }
0xbb: {  	[spmem:s3] =	stream.indirect.scatter.add.f32 [tilespmem:s26], [sflag:$0x6], $0x1, s4, s30, $0xb8;
	[tilespmem:$0x1C700] =	vst v63  }
0xbc: {  	_ =	swait.ge [sflag:s0], $0x80  }
0xbd: {  	[sflag:s0] =	ssyncset.done $0x0  }
0xbe: {  	[sflag:s0] =	ssyncadd.s32 $0xFFFFFF80  }
0xbf: {  	_ =	swait.ge [sflag:s25], $0x4000  }
0xc0: {  	[sflag:s25] =	ssyncset.done $0x0  }
0xc1: {  	[sflag:s25] =	ssyncadd.s32 $0xFFFFC000  }
0xc2: {  	_ =	swait.ge [sflag:s25], $0x80  }
0xc3: {  	[sflag:s25] =	ssyncset.done $0x0  }
0xc4: {  	[sflag:s25] =	ssyncadd.s32 $0xFFFFFF80  }
0xc5: {  	_ =	swait.ge [sflag:s25], $0x80  }
0xc6: {  	p1 =	seq.s32 s15, $0x18000;
	[sflag:s25] =	ssyncset.done $0x0  }
0xc7: {  	s16 =	simm.s32 @!p1 $0x3;
	s15 =	sadd.s32 @!p1 s15, s19;
	[sflag:s25] =	ssyncadd.s32 $0xFFFFFF80  }
0xc8: {  	s17 =	sshrl.u32 @!p1 s20, $0x3;
	s15 =	sadd.s32 @!p1 $0x1000, s15;
	_ =	swait.ge @!p1 [sflag:s16], $0x4000  }
0xc9: {  	s18 =	sadd.s32 @!p1 s6, s17;
	s17 =	sadd.s32 @!p1 s5, s17;
	[sflag:s16] =	ssyncset.done @!p1 $0x0  }
0xca: {  	s1 =	simm.s32 @!p1 $0x200;
	[sflag:s16] =	ssyncadd.s32 @!p1 $0xFFFFC000;
	s16 =	simm.s32 @!p1 $0x0  }
0xcb: {  	[tilespmem:s1], [sflag:$0x1] =	stream.linear.gather @!p1 [hbm4b:s15+s16], $0x4000, $0x38;
	[tilespmem:$0x1C700] =	vst v63  }
0xcc: {  	_ = 	snop  }
0xcd: {  	[tilespmem:s16], [sflag:$0x1] =	stream.linear.gather @!p1 [hbm4b:s18+s16], $0x80, $0x38;
	[tilespmem:$0x1C700] =	vst v63  }
0xce: {  	s1 =	simm.s32 @!p1 $0x100  }
0xcf: {  	[tilespmem:s1], [sflag:$0x1] =	stream.linear.gather @!p1 [hbm4b:s17+s16], $0x80, $0x38;
	[tilespmem:$0x1C700] =	vst v63  }
0xd0: {  	_ = 	snop  }
0xd1: {  	[spmem:s2] =	stream.indirect.scatter.add.f32 [tilespmem:s29], [sflag:$0x4], $0x80, s30, s30, $0xb8;
	[tilespmem:$0x1C700] =	vst v63  }
.Ltmp1:
0xd2: {  	_ = 	snop;
	(pc) =	sbr.rel @p0 .LBB2_4-.Ltmp1, $4  }
0xd3: {  	_ = 	snop  }
0xd4: {  	[spmem:s3] =	stream.indirect.scatter.add.f32 [tilespmem:s31], [sflag:$0x5], $0x1, s30, s30, $0xb8;
	[tilespmem:$0x1C700] =	vst v63  }
0xd5: {  	_ =	swait.ge [sflag:s24], $0x80  }
0xd6: {  	s13 =	sadd.s32 $0x20, s13;
	s12 =	sadd.s32 $0x20, s12;
	[sflag:s24] =	ssyncset.done $0x0  }
0xd7: {  	[sflag:s24] =	ssyncadd.s32 $0xFFFFFF80;
	s1 =	simm.s32 $0x3  }
0xd8: {  	_ =	swait.ge [sflag:s1], $0x4000  }
0xd9: {  	[sflag:s1] =	ssyncset.done $0x0  }
0xda: {  	[sflag:s1] =	ssyncadd.s32 $0xFFFFC000  }
0xdb: {  	_ =	swait.ge [sflag:s9], $0x4000  }
0xdc: {  	[sflag:s9] =	ssyncset.done $0x0  }
0xdd: {  	s16 =	stileid.u32;
	[sflag:s9] =	ssyncadd.s32 $0xFFFFC000  }
0xde: {  	s1 =	sshll.u32 s16, $0x6;
	[bflag:$0x0] =	sbarrier.arrive $0xFFFF  }
0xdf: {  	s11 =	sshrl.u32 s7, $0x3;
	s1 =	sor.u32 $0x1C05, s1;
	s12 =	rddreg [dreg:$0x7]  }
0xe0: {  	[hbm:s12], [sflag:s1] =	dma.local [spmem:s11], $0x2800  }
0xe1: {  	_ =	swait.ge [sflag:s24], $0x2800  }
0xe2: {  	s17 =	sshrl.u32 s8, $0x3;
	s13 =	simm.s32 $0x20;
	[sflag:s24] =	ssyncset.done $0x0  }
0xe3: {  	s15 =	simm.s32 $0x10;
	s18 =	rddreg [dreg:$0x8];
	[sflag:s24] =	ssyncadd.s32 $0xFFFFD800  }
0xe4: {  	[hbm:s18@s13], [sflag:s1] =	dma.strided [spmem:s17@s15], $0x50, s28, $0x10   }
0xe5: {  	_ =	swait.ge [sflag:s24], $0x50  }
0xe6: {  	s10 =	sadd.s32 $0x1, s10;
	s20 =	rddreg [dreg:$0x9]  }
0xe7: {  	p0 =	sne.s32 s10, s20  }
.Ltmp2:
0xe8: {  	_ = 	snop;
	(pc) =	sbr.rel @p0 .LBB2_1-.Ltmp2, $3  }
0xe9: {  	_ =	sdelay $0x1  }
0xea: {  	[sflag:s24] =	ssyncset.done $0x0  }
0xeb: {  	[sflag:s24] =	ssyncadd.s32 $0xFFFFFFB0  }
0xec: {  	_ =	sfence.sel $0x180000  }
0xed: {  	[bflag:$0x0] =	sbarrier.arrive $0xFFFF  }
0xee: {  	_ =	strace $0x90000047  }
0xef: {  	s0 =	stileid.u32;
	[bflag:$0x2] =	sbarrier.arrive $0xFFFF  }
0xf0: {  	p0 =	sne.s32 s0, $0x0;
	s0 =	rddreg [dreg:$0x3]  }
0xf1: {  	s0 =	sadd.s32 @!p0 $0x100000, s0  }
0xf2: {  	[sflag:s0] =	ssyncadd.tile.s32 @!p0 $0x1;
	_ =	shalt  }
.Lfunc_end2:
_tile_overlayer_lowered:
.L_overlay_start_2:
0xf3: {  	(tag) =	ssettag $0x2  }
0xf4: {  	s0 =	rddreg [dreg:$0x0];
	s2 =	stileid.u32  }
0xf5: {  	s1 =	rddreg [dreg:$0x1];
	p0 =	sne.s32 s2, $0x0  }
0xf6: {  	s3 =	rddreg [dreg:$0x2];
	[bflag:$0x3] =	sbarrier.arrive $0xFFFF;
	s2 =	simm.s32 @!p0 $0x1C05  }
0xf7: {  	[timem:s3], [sflag:s2] =	dma.local @!p0 [hbm:s0], s1  }
0xf8: {  	s0 =	simm.s32 @!p0 $0x5  }
0xf9: {  	_ =	swait.ge @!p0 [sflag:s0], s1  }
0xfa: {  	s1 =	ssub.s32 @!p0 $0x0, s1;
	[sflag:s0] =	ssyncset.done @!p0 $0x0  }
0xfb: {  	[sflag:s0] =	ssyncadd.s32 @!p0 s1  }
0xfc: {  	[bflag:$0x3] =	sbarrier.arrive $0xFFFF  }
0xfd: {  	_ =	shalt  }

</sc_bundles>
